<compile_context>
chip_gen: v7x
topology: tpu7x:2x2x1
jax: 0.10.2.dev20260603
libtpu: 0.0.44.dev20260713+nightly
codegen_flags: <defaults>
</compile_context>

<pallas_src>
import functools

import jax
import jax.numpy as jnp
from jax import lax
from jax.experimental import pallas as pl
from jax.experimental.pallas import tpu as pltpu
from jax.experimental.pallas import tpu_sc as plsc

_V = 8192
_D = 256
_B = 16384
_NC = 2
_NS = 16
_NW = _NC * _NS
_BPW = _B // _NW
_CHUNK = 128
_NCHUNK = _BPW // _CHUNK
_NBUF = 3

_mesh = plsc.VectorSubcoreMesh(core_axis_name="c", subcore_axis_name="s")


@functools.partial(
    pl.kernel,
    mesh=_mesh,
    out_type=jax.ShapeDtypeStruct((_B, _D), jnp.float32),
    scratch_types=[
        pltpu.VMEM((_NCHUNK, _CHUNK), jnp.int32),
    ]
    + [pltpu.VMEM((_CHUNK, _D), jnp.float32) for _ in range(_NBUF)]
    + [pltpu.SemaphoreType.DMA for _ in range(2 * _NBUF + 2)],
)
def _sc_gather(idx_hbm, table_hbm, out_hbm, idx_v, *scratch):
    bufs = scratch[:_NBUF]
    gsems = scratch[_NBUF:2 * _NBUF]
    wsems = scratch[2 * _NBUF:3 * _NBUF]
    isem0, isem1 = scratch[3 * _NBUF:]
    wid = lax.axis_index("s") * _NC + lax.axis_index("c")
    base = wid * _BPW
    icp0 = pltpu.async_copy(idx_hbm.at[wid].at[pl.ds(0, 1)],
                            idx_v.at[pl.ds(0, 1)], isem0)
    icp1 = pltpu.async_copy(idx_hbm.at[wid].at[pl.ds(1, _NCHUNK - 1)],
                            idx_v.at[pl.ds(1, _NCHUNK - 1)], isem1)
    gcp = [None] * _NCHUNK
    wcp = [None] * _NCHUNK
    for c in range(_NCHUNK):
        b = c % _NBUF
        if c >= _NBUF:
            wcp[c - _NBUF].wait()
        if c == 0:
            icp0.wait()
        elif c == 1:
            icp1.wait()
        gcp[c] = pltpu.async_copy(table_hbm.at[idx_v.at[c]], bufs[b], gsems[b])
        if c >= 1:
            p = c - 1
            gcp[p].wait()
            wcp[p] = pltpu.async_copy(
                bufs[p % _NBUF],
                out_hbm.at[pl.ds(base + p * _CHUNK, _CHUNK)],
                wsems[p % _NBUF],
            )
    last = _NCHUNK - 1
    gcp[last].wait()
    wcp[last] = pltpu.async_copy(
        bufs[last % _NBUF],
        out_hbm.at[pl.ds(base + last * _CHUNK, _CHUNK)],
        wsems[last % _NBUF],
    )
    for c in range(max(0, _NCHUNK - _NBUF), _NCHUNK):
        wcp[c].wait()


def kernel(cls_ids, vec):
    idx3 = cls_ids.reshape(_NW, _NCHUNK, _CHUNK)
    return _sc_gather(idx3, vec)

# --- scband reference (transcript-rebuilt; emitter-appended) ---
"""Pipeline reference for scband-emaprototypes-37907381354731 (READ-ONLY COPY).

The authoritative reference and input builder live on the scoring server;
editing this copy changes nothing except your own understanding.
"""

import jax, jax.numpy as jnp
import numpy as np

NUM_CLASSES = 8192
FEAT_DIM = 256
BATCH = 16384

def setup_inputs(seed: int = 0) -> dict:
    key = jax.random.key(seed)
    k1, k2 = jax.random.split(key)
    # Learned/EMA prototype buffer (the 'vec' registered buffer). In the torch
    # module it starts as zeros and is filled by EMA updates; we materialize a
    # populated table so the gather is non-trivial.
    vec = jax.random.normal(k1, (NUM_CLASSES, FEAT_DIM), dtype=jnp.float32)
    cls_ids = jax.random.randint(k2, (BATCH,), 0, NUM_CLASSES, dtype=jnp.int32)
    return {"cls_ids": cls_ids, "vec": vec}

def reference(cls_ids, vec):
    # EMAPrototypes.get: per-sample prototype lookup, vec[cls_ids]
    return jnp.take(vec, cls_ids, axis=0)

if __name__ == "__main__":
    import jax
    _d = setup_inputs()
    print(jax.jit(kernel)(*tuple(_d.values())))

</pallas_src>

<mosaic_0001>
#map = affine_map<(d0, d1) -> (0, 0, 0)>
#map1 = affine_map<(d0, d1) -> (0, 0)>
module attributes {stable_mosaic.version = 14 : i64} {
  func.func @_sc_gather(%arg0: i32, %arg1: i32, %arg2: memref<32x4x128xi32, #tpu.memory_space<hbm>>, %arg3: memref<8192x256xf32, #tpu.memory_space<hbm>>, %arg4: memref<16384x256xf32, #tpu.memory_space<hbm>>, %arg5: memref<4x128xi32, #tpu.memory_space<vmem>>, %arg6: memref<128x256xf32, #tpu.memory_space<vmem>>, %arg7: memref<128x256xf32, #tpu.memory_space<vmem>>, %arg8: memref<128x256xf32, #tpu.memory_space<vmem>>, %arg9: memref<!tpu.dma_semaphore, #tpu.memory_space<semaphore_mem>>, %arg10: memref<!tpu.dma_semaphore, #tpu.memory_space<semaphore_mem>>, %arg11: memref<!tpu.dma_semaphore, #tpu.memory_space<semaphore_mem>>, %arg12: memref<!tpu.dma_semaphore, #tpu.memory_space<semaphore_mem>>, %arg13: memref<!tpu.dma_semaphore, #tpu.memory_space<semaphore_mem>>, %arg14: memref<!tpu.dma_semaphore, #tpu.memory_space<semaphore_mem>>, %arg15: memref<!tpu.dma_semaphore, #tpu.memory_space<semaphore_mem>>, %arg16: memref<!tpu.dma_semaphore, #tpu.memory_space<semaphore_mem>>) attributes {dimension_semantics = [#tpu.dimension_semantics<core_parallel>, #tpu.dimension_semantics<subcore_parallel>], iteration_bounds = array<i64: 2, 16>, scalar_prefetch = 0 : i64, scratch_operands = 12 : i64, tpu.core_type = #tpu.core_type<sc_vector_subcore>, window_params = [{transform_indices = #map}, {transform_indices = #map1}, {transform_indices = #map1}]} {
    %mul3A = arith.constant 2 : i32
    %mul3A_0 = arith.muli %arg1, %mul3A : i32
    %add3A = arith.addi %mul3A_0, %arg0 : i32
    %mul3A_1 = arith.constant 512 : i32
    %mul3A_2 = arith.muli %add3A, %mul3A_1 : i32
    %dma_start3A = arith.constant 0 : i32
    %dma_start3A_3 = arith.constant 0 : i32
    %dma_start3A_4 = tpu.memref_slice %arg5[%dma_start3A, %dma_start3A_3] : memref<4x128xi32, #tpu.memory_space<vmem>> -> memref<1x128xi32, #tpu.memory_space<vmem>>
    %dma_start3A_5 = arith.constant 0 : i32
    %dma_start3A_6 = arith.constant 0 : i32
    %dma_start3A_7 = tpu.memref_slice %arg2[%add3A, %dma_start3A_5, %dma_start3A_6] : memref<32x4x128xi32, #tpu.memory_space<hbm>> -> memref<1x4x128xi32, #tpu.memory_space<hbm>>
    %dma_start3A_8 = tpu.memref_squeeze %dma_start3A_7 : memref<1x4x128xi32, #tpu.memory_space<hbm>> -> memref<4x128xi32, #tpu.memory_space<hbm>>
    %dma_start3A_9 = arith.constant 0 : i32
    %dma_start3A_10 = arith.constant 0 : i32
    %dma_start3A_11 = tpu.memref_slice %dma_start3A_8[%dma_start3A_9, %dma_start3A_10] : memref<4x128xi32, #tpu.memory_space<hbm>> -> memref<1x128xi32, #tpu.memory_space<hbm>>
    %dma_start3A_12 = arith.constant 0 : i32
    %dma_start3A_13 = arith.constant 0 : i32
    %dma_start3A_14 = tpu.memref_slice %arg5[%dma_start3A_12, %dma_start3A_13] : memref<4x128xi32, #tpu.memory_space<vmem>> -> memref<1x128xi32, #tpu.memory_space<vmem>>
    %dma_start3A_15 = arith.constant 0 : i32
    %dma_start3A_16 = arith.constant 0 : i32
    %dma_start3A_17 = tpu.memref_slice %arg2[%add3A, %dma_start3A_15, %dma_start3A_16] : memref<32x4x128xi32, #tpu.memory_space<hbm>> -> memref<1x4x128xi32, #tpu.memory_space<hbm>>
    %dma_start3A_18 = tpu.memref_squeeze %dma_start3A_17 : memref<1x4x128xi32, #tpu.memory_space<hbm>> -> memref<4x128xi32, #tpu.memory_space<hbm>>
    %dma_start3A_19 = arith.constant 0 : i32
    %dma_start3A_20 = arith.constant 0 : i32
    %dma_start3A_21 = tpu.memref_slice %dma_start3A_18[%dma_start3A_19, %dma_start3A_20] : memref<4x128xi32, #tpu.memory_space<hbm>> -> memref<1x128xi32, #tpu.memory_space<hbm>>
    tpu.enqueue_dma source(%dma_start3A_21 : memref<1x128xi32, #tpu.memory_space<hbm>>) target(%dma_start3A_14 : memref<1x128xi32, #tpu.memory_space<vmem>>) target_semaphore(%arg15 : memref<!tpu.dma_semaphore, #tpu.memory_space<semaphore_mem>>)
    %dma_start3A_22 = arith.constant 1 : i32
    %dma_start3A_23 = arith.constant 0 : i32
    %dma_start3A_24 = tpu.memref_slice %arg5[%dma_start3A_22, %dma_start3A_23] : memref<4x128xi32, #tpu.memory_space<vmem>> -> memref<3x128xi32, #tpu.memory_space<vmem>>
    %dma_start3A_25 = arith.constant 0 : i32
    %dma_start3A_26 = arith.constant 0 : i32
    %dma_start3A_27 = tpu.memref_slice %arg2[%add3A, %dma_start3A_25, %dma_start3A_26] : memref<32x4x128xi32, #tpu.memory_space<hbm>> -> memref<1x4x128xi32, #tpu.memory_space<hbm>>
    %dma_start3A_28 = tpu.memref_squeeze %dma_start3A_27 : memref<1x4x128xi32, #tpu.memory_space<hbm>> -> memref<4x128xi32, #tpu.memory_space<hbm>>
    %dma_start3A_29 = arith.constant 1 : i32
    %dma_start3A_30 = arith.constant 0 : i32
    %dma_start3A_31 = tpu.memref_slice %dma_start3A_28[%dma_start3A_29, %dma_start3A_30] : memref<4x128xi32, #tpu.memory_space<hbm>> -> memref<3x128xi32, #tpu.memory_space<hbm>>
    %dma_start3A_32 = arith.constant 1 : i32
    %dma_start3A_33 = arith.constant 0 : i32
    %dma_start3A_34 = tpu.memref_slice %arg5[%dma_start3A_32, %dma_start3A_33] : memref<4x128xi32, #tpu.memory_space<vmem>> -> memref<3x128xi32, #tpu.memory_space<vmem>>
    %dma_start3A_35 = arith.constant 0 : i32
    %dma_start3A_36 = arith.constant 0 : i32
    %dma_start3A_37 = tpu.memref_slice %arg2[%add3A, %dma_start3A_35, %dma_start3A_36] : memref<32x4x128xi32, #tpu.memory_space<hbm>> -> memref<1x4x128xi32, #tpu.memory_space<hbm>>
    %dma_start3A_38 = tpu.memref_squeeze %dma_start3A_37 : memref<1x4x128xi32, #tpu.memory_space<hbm>> -> memref<4x128xi32, #tpu.memory_space<hbm>>
    %dma_start3A_39 = arith.constant 1 : i32
    %dma_start3A_40 = arith.constant 0 : i32
    %dma_start3A_41 = tpu.memref_slice %dma_start3A_38[%dma_start3A_39, %dma_start3A_40] : memref<4x128xi32, #tpu.memory_space<hbm>> -> memref<3x128xi32, #tpu.memory_space<hbm>>
    tpu.enqueue_dma source(%dma_start3A_41 : memref<3x128xi32, #tpu.memory_space<hbm>>) target(%dma_start3A_34 : memref<3x128xi32, #tpu.memory_space<vmem>>) target_semaphore(%arg16 : memref<!tpu.dma_semaphore, #tpu.memory_space<semaphore_mem>>)
    %dma_wait3A = arith.constant 0 : i32
    %dma_wait3A_42 = arith.constant 0 : i32
    %dma_wait3A_43 = tpu.memref_slice %arg5[%dma_wait3A, %dma_wait3A_42] : memref<4x128xi32, #tpu.memory_space<vmem>> -> memref<1x128xi32, #tpu.memory_space<vmem>>
    %dma_wait3A_44 = arith.constant 0 : i32
    %dma_wait3A_45 = arith.constant 0 : i32
    %dma_wait3A_46 = tpu.memref_slice %arg2[%add3A, %dma_wait3A_44, %dma_wait3A_45] : memref<32x4x128xi32, #tpu.memory_space<hbm>> -> memref<1x4x128xi32, #tpu.memory_space<hbm>>
    %dma_wait3A_47 = tpu.memref_squeeze %dma_wait3A_46 : memref<1x4x128xi32, #tpu.memory_space<hbm>> -> memref<4x128xi32, #tpu.memory_space<hbm>>
    %dma_wait3A_48 = arith.constant 0 : i32
    %dma_wait3A_49 = arith.constant 0 : i32
    %dma_wait3A_50 = tpu.memref_slice %dma_wait3A_47[%dma_wait3A_48, %dma_wait3A_49] : memref<4x128xi32, #tpu.memory_space<hbm>> -> memref<1x128xi32, #tpu.memory_space<hbm>>
    %dma_wait3A_51 = arith.constant 0 : i32
    %dma_wait3A_52 = arith.constant 0 : i32
    %dma_wait3A_53 = tpu.memref_slice %arg5[%dma_wait3A_51, %dma_wait3A_52] : memref<4x128xi32, #tpu.memory_space<vmem>> -> memref<1x128xi32, #tpu.memory_space<vmem>>
    %dma_wait3A_54 = arith.constant 0 : i32
    %dma_wait3A_55 = arith.constant 0 : i32
    %dma_wait3A_56 = tpu.memref_slice %arg2[%add3A, %dma_wait3A_54, %dma_wait3A_55] : memref<32x4x128xi32, #tpu.memory_space<hbm>> -> memref<1x4x128xi32, #tpu.memory_space<hbm>>
    %dma_wait3A_57 = tpu.memref_squeeze %dma_wait3A_56 : memref<1x4x128xi32, #tpu.memory_space<hbm>> -> memref<4x128xi32, #tpu.memory_space<hbm>>
    %dma_wait3A_58 = arith.constant 0 : i32
    %dma_wait3A_59 = arith.constant 0 : i32
    %dma_wait3A_60 = tpu.memref_slice %dma_wait3A_57[%dma_wait3A_58, %dma_wait3A_59] : memref<4x128xi32, #tpu.memory_space<hbm>> -> memref<1x128xi32, #tpu.memory_space<hbm>>
    tpu.wait_dma2 semaphore(%arg15 : memref<!tpu.dma_semaphore, #tpu.memory_space<semaphore_mem>>) src(%dma_wait3A_60 : memref<1x128xi32, #tpu.memory_space<hbm>>) dst(%dma_wait3A_53 : memref<1x128xi32, #tpu.memory_space<vmem>>)
    %dma_start3A_61 = arith.constant 0 : i32
    %dma_start3A_62 = arith.constant 0 : i32
    %dma_start3A_63 = tpu.memref_slice %arg5[%dma_start3A_61, %dma_start3A_62] : memref<4x128xi32, #tpu.memory_space<vmem>> -> memref<1x128xi32, #tpu.memory_space<vmem>>
    %dma_start3A_64 = tpu.memref_squeeze %dma_start3A_63 : memref<1x128xi32, #tpu.memory_space<vmem>> -> memref<128xi32, #tpu.memory_space<vmem>>
    %dma_start3A_65 = arith.constant 0 : i32
    %dma_start3A_66 = arith.constant 0 : i32
    %dma_start3A_67 = tpu.memref_slice %arg3[%dma_start3A_65, %dma_start3A_66] : memref<8192x256xf32, #tpu.memory_space<hbm>> -> memref<8192x256xf32, #tpu.memory_space<hbm>>
    tpu.enqueue_indirect_dma source(%dma_start3A_67 : memref<8192x256xf32, #tpu.memory_space<hbm>>) target(%arg6 : memref<128x256xf32, #tpu.memory_space<vmem>>) offsets(%dma_start3A_64 : memref<128xi32, #tpu.memory_space<vmem>>) semaphore(%arg9 : memref<!tpu.dma_semaphore, #tpu.memory_space<semaphore_mem>>)
    %dma_wait3A_68 = arith.constant 1 : i32
    %dma_wait3A_69 = arith.constant 0 : i32
    %dma_wait3A_70 = tpu.memref_slice %arg5[%dma_wait3A_68, %dma_wait3A_69] : memref<4x128xi32, #tpu.memory_space<vmem>> -> memref<3x128xi32, #tpu.memory_space<vmem>>
    %dma_wait3A_71 = arith.constant 0 : i32
    %dma_wait3A_72 = arith.constant 0 : i32
    %dma_wait3A_73 = tpu.memref_slice %arg2[%add3A, %dma_wait3A_71, %dma_wait3A_72] : memref<32x4x128xi32, #tpu.memory_space<hbm>> -> memref<1x4x128xi32, #tpu.memory_space<hbm>>
    %dma_wait3A_74 = tpu.memref_squeeze %dma_wait3A_73 : memref<1x4x128xi32, #tpu.memory_space<hbm>> -> memref<4x128xi32, #tpu.memory_space<hbm>>
    %dma_wait3A_75 = arith.constant 1 : i32
    %dma_wait3A_76 = arith.constant 0 : i32
    %dma_wait3A_77 = tpu.memref_slice %dma_wait3A_74[%dma_wait3A_75, %dma_wait3A_76] : memref<4x128xi32, #tpu.memory_space<hbm>> -> memref<3x128xi32, #tpu.memory_space<hbm>>
    %dma_wait3A_78 = arith.constant 1 : i32
    %dma_wait3A_79 = arith.constant 0 : i32
    %dma_wait3A_80 = tpu.memref_slice %arg5[%dma_wait3A_78, %dma_wait3A_79] : memref<4x128xi32, #tpu.memory_space<vmem>> -> memref<3x128xi32, #tpu.memory_space<vmem>>
    %dma_wait3A_81 = arith.constant 0 : i32
    %dma_wait3A_82 = arith.constant 0 : i32
    %dma_wait3A_83 = tpu.memref_slice %arg2[%add3A, %dma_wait3A_81, %dma_wait3A_82] : memref<32x4x128xi32, #tpu.memory_space<hbm>> -> memref<1x4x128xi32, #tpu.memory_space<hbm>>
    %dma_wait3A_84 = tpu.memref_squeeze %dma_wait3A_83 : memref<1x4x128xi32, #tpu.memory_space<hbm>> -> memref<4x128xi32, #tpu.memory_space<hbm>>
    %dma_wait3A_85 = arith.constant 1 : i32
    %dma_wait3A_86 = arith.constant 0 : i32
    %dma_wait3A_87 = tpu.memref_slice %dma_wait3A_84[%dma_wait3A_85, %dma_wait3A_86] : memref<4x128xi32, #tpu.memory_space<hbm>> -> memref<3x128xi32, #tpu.memory_space<hbm>>
    tpu.wait_dma2 semaphore(%arg16 : memref<!tpu.dma_semaphore, #tpu.memory_space<semaphore_mem>>) src(%dma_wait3A_87 : memref<3x128xi32, #tpu.memory_space<hbm>>) dst(%dma_wait3A_80 : memref<3x128xi32, #tpu.memory_space<vmem>>)
    %dma_start3A_88 = arith.constant 1 : i32
    %dma_start3A_89 = arith.constant 0 : i32
    %dma_start3A_90 = tpu.memref_slice %arg5[%dma_start3A_88, %dma_start3A_89] : memref<4x128xi32, #tpu.memory_space<vmem>> -> memref<1x128xi32, #tpu.memory_space<vmem>>
    %dma_start3A_91 = tpu.memref_squeeze %dma_start3A_90 : memref<1x128xi32, #tpu.memory_space<vmem>> -> memref<128xi32, #tpu.memory_space<vmem>>
    %dma_start3A_92 = arith.constant 0 : i32
    %dma_start3A_93 = arith.constant 0 : i32
    %dma_start3A_94 = tpu.memref_slice %arg3[%dma_start3A_92, %dma_start3A_93] : memref<8192x256xf32, #tpu.memory_space<hbm>> -> memref<8192x256xf32, #tpu.memory_space<hbm>>
    tpu.enqueue_indirect_dma source(%dma_start3A_94 : memref<8192x256xf32, #tpu.memory_space<hbm>>) target(%arg7 : memref<128x256xf32, #tpu.memory_space<vmem>>) offsets(%dma_start3A_91 : memref<128xi32, #tpu.memory_space<vmem>>) semaphore(%arg10 : memref<!tpu.dma_semaphore, #tpu.memory_space<semaphore_mem>>)
    %dma_wait3A_95 = arith.constant 0 : i32
    %dma_wait3A_96 = arith.constant 0 : i32
    %dma_wait3A_97 = tpu.memref_slice %arg5[%dma_wait3A_95, %dma_wait3A_96] : memref<4x128xi32, #tpu.memory_space<vmem>> -> memref<1x128xi32, #tpu.memory_space<vmem>>
    %dma_wait3A_98 = tpu.memref_squeeze %dma_wait3A_97 : memref<1x128xi32, #tpu.memory_space<vmem>> -> memref<128xi32, #tpu.memory_space<vmem>>
    %dma_wait3A_99 = arith.constant 0 : i32
    %dma_wait3A_100 = arith.constant 0 : i32
    %dma_wait3A_101 = tpu.memref_slice %arg3[%dma_wait3A_99, %dma_wait3A_100] : memref<8192x256xf32, #tpu.memory_space<hbm>> -> memref<8192x256xf32, #tpu.memory_space<hbm>>
    tpu.wait_indirect_dma semaphore(%arg9 : memref<!tpu.dma_semaphore, #tpu.memory_space<semaphore_mem>>) src(%dma_wait3A_101 : memref<8192x256xf32, #tpu.memory_space<hbm>>) dst(%arg6 : memref<128x256xf32, #tpu.memory_space<vmem>>)
    %add3A_102 = arith.constant 0 : i32
    %add3A_103 = arith.addi %mul3A_2, %add3A_102 : i32
    %dma_start3A_104 = arith.constant 0 : i32
    %dma_start3A_105 = tpu.memref_slice %arg4[%add3A_103, %dma_start3A_104] : memref<16384x256xf32, #tpu.memory_space<hbm>> -> memref<128x256xf32, #tpu.memory_space<hbm>>
    %dma_start3A_106 = arith.constant 0 : i32
    %dma_start3A_107 = tpu.memref_slice %arg4[%add3A_103, %dma_start3A_106] : memref<16384x256xf32, #tpu.memory_space<hbm>> -> memref<128x256xf32, #tpu.memory_space<hbm>>
    tpu.enqueue_dma source(%arg6 : memref<128x256xf32, #tpu.memory_space<vmem>>) target(%dma_start3A_107 : memref<128x256xf32, #tpu.memory_space<hbm>>) target_semaphore(%arg12 : memref<!tpu.dma_semaphore, #tpu.memory_space<semaphore_mem>>)
    %dma_start3A_108 = arith.constant 2 : i32
    %dma_start3A_109 = arith.constant 0 : i32
    %dma_start3A_110 = tpu.memref_slice %arg5[%dma_start3A_108, %dma_start3A_109] : memref<4x128xi32, #tpu.memory_space<vmem>> -> memref<1x128xi32, #tpu.memory_space<vmem>>
    %dma_start3A_111 = tpu.memref_squeeze %dma_start3A_110 : memref<1x128xi32, #tpu.memory_space<vmem>> -> memref<128xi32, #tpu.memory_space<vmem>>
    %dma_start3A_112 = arith.constant 0 : i32
    %dma_start3A_113 = arith.constant 0 : i32
    %dma_start3A_114 = tpu.memref_slice %arg3[%dma_start3A_112, %dma_start3A_113] : memref<8192x256xf32, #tpu.memory_space<hbm>> -> memref<8192x256xf32, #tpu.memory_space<hbm>>
    tpu.enqueue_indirect_dma source(%dma_start3A_114 : memref<8192x256xf32, #tpu.memory_space<hbm>>) target(%arg8 : memref<128x256xf32, #tpu.memory_space<vmem>>) offsets(%dma_start3A_111 : memref<128xi32, #tpu.memory_space<vmem>>) semaphore(%arg11 : memref<!tpu.dma_semaphore, #tpu.memory_space<semaphore_mem>>)
    %dma_wait3A_115 = arith.constant 1 : i32
    %dma_wait3A_116 = arith.constant 0 : i32
    %dma_wait3A_117 = tpu.memref_slice %arg5[%dma_wait3A_115, %dma_wait3A_116] : memref<4x128xi32, #tpu.memory_space<vmem>> -> memref<1x128xi32, #tpu.memory_space<vmem>>
    %dma_wait3A_118 = tpu.memref_squeeze %dma_wait3A_117 : memref<1x128xi32, #tpu.memory_space<vmem>> -> memref<128xi32, #tpu.memory_space<vmem>>
    %dma_wait3A_119 = arith.constant 0 : i32
    %dma_wait3A_120 = arith.constant 0 : i32
    %dma_wait3A_121 = tpu.memref_slice %arg3[%dma_wait3A_119, %dma_wait3A_120] : memref<8192x256xf32, #tpu.memory_space<hbm>> -> memref<8192x256xf32, #tpu.memory_space<hbm>>
    tpu.wait_indirect_dma semaphore(%arg10 : memref<!tpu.dma_semaphore, #tpu.memory_space<semaphore_mem>>) src(%dma_wait3A_121 : memref<8192x256xf32, #tpu.memory_space<hbm>>) dst(%arg7 : memref<128x256xf32, #tpu.memory_space<vmem>>)
    %add3A_122 = arith.constant 128 : i32
    %add3A_123 = arith.addi %mul3A_2, %add3A_122 : i32
    %dma_start3A_124 = arith.constant 0 : i32
    %dma_start3A_125 = tpu.memref_slice %arg4[%add3A_123, %dma_start3A_124] : memref<16384x256xf32, #tpu.memory_space<hbm>> -> memref<128x256xf32, #tpu.memory_space<hbm>>
    %dma_start3A_126 = arith.constant 0 : i32
    %dma_start3A_127 = tpu.memref_slice %arg4[%add3A_123, %dma_start3A_126] : memref<16384x256xf32, #tpu.memory_space<hbm>> -> memref<128x256xf32, #tpu.memory_space<hbm>>
    tpu.enqueue_dma source(%arg7 : memref<128x256xf32, #tpu.memory_space<vmem>>) target(%dma_start3A_127 : memref<128x256xf32, #tpu.memory_space<hbm>>) target_semaphore(%arg13 : memref<!tpu.dma_semaphore, #tpu.memory_space<semaphore_mem>>)
    %dma_wait3A_128 = arith.constant 0 : i32
    %dma_wait3A_129 = tpu.memref_slice %arg4[%add3A_103, %dma_wait3A_128] : memref<16384x256xf32, #tpu.memory_space<hbm>> -> memref<128x256xf32, #tpu.memory_space<hbm>>
    %dma_wait3A_130 = arith.constant 0 : i32
    %dma_wait3A_131 = tpu.memref_slice %arg4[%add3A_103, %dma_wait3A_130] : memref<16384x256xf32, #tpu.memory_space<hbm>> -> memref<128x256xf32, #tpu.memory_space<hbm>>
    tpu.wait_dma2 semaphore(%arg12 : memref<!tpu.dma_semaphore, #tpu.memory_space<semaphore_mem>>) src(%arg6 : memref<128x256xf32, #tpu.memory_space<vmem>>) dst(%dma_wait3A_131 : memref<128x256xf32, #tpu.memory_space<hbm>>)
    %dma_start3A_132 = arith.constant 3 : i32
    %dma_start3A_133 = arith.constant 0 : i32
    %dma_start3A_134 = tpu.memref_slice %arg5[%dma_start3A_132, %dma_start3A_133] : memref<4x128xi32, #tpu.memory_space<vmem>> -> memref<1x128xi32, #tpu.memory_space<vmem>>
    %dma_start3A_135 = tpu.memref_squeeze %dma_start3A_134 : memref<1x128xi32, #tpu.memory_space<vmem>> -> memref<128xi32, #tpu.memory_space<vmem>>
    %dma_start3A_136 = arith.constant 0 : i32
    %dma_start3A_137 = arith.constant 0 : i32
    %dma_start3A_138 = tpu.memref_slice %arg3[%dma_start3A_136, %dma_start3A_137] : memref<8192x256xf32, #tpu.memory_space<hbm>> -> memref<8192x256xf32, #tpu.memory_space<hbm>>
    tpu.enqueue_indirect_dma source(%dma_start3A_138 : memref<8192x256xf32, #tpu.memory_space<hbm>>) target(%arg6 : memref<128x256xf32, #tpu.memory_space<vmem>>) offsets(%dma_start3A_135 : memref<128xi32, #tpu.memory_space<vmem>>) semaphore(%arg9 : memref<!tpu.dma_semaphore, #tpu.memory_space<semaphore_mem>>)
    %dma_wait3A_139 = arith.constant 2 : i32
    %dma_wait3A_140 = arith.constant 0 : i32
    %dma_wait3A_141 = tpu.memref_slice %arg5[%dma_wait3A_139, %dma_wait3A_140] : memref<4x128xi32, #tpu.memory_space<vmem>> -> memref<1x128xi32, #tpu.memory_space<vmem>>
    %dma_wait3A_142 = tpu.memref_squeeze %dma_wait3A_141 : memref<1x128xi32, #tpu.memory_space<vmem>> -> memref<128xi32, #tpu.memory_space<vmem>>
    %dma_wait3A_143 = arith.constant 0 : i32
    %dma_wait3A_144 = arith.constant 0 : i32
    %dma_wait3A_145 = tpu.memref_slice %arg3[%dma_wait3A_143, %dma_wait3A_144] : memref<8192x256xf32, #tpu.memory_space<hbm>> -> memref<8192x256xf32, #tpu.memory_space<hbm>>
    tpu.wait_indirect_dma semaphore(%arg11 : memref<!tpu.dma_semaphore, #tpu.memory_space<semaphore_mem>>) src(%dma_wait3A_145 : memref<8192x256xf32, #tpu.memory_space<hbm>>) dst(%arg8 : memref<128x256xf32, #tpu.memory_space<vmem>>)
    %add3A_146 = arith.constant 256 : i32
    %add3A_147 = arith.addi %mul3A_2, %add3A_146 : i32
    %dma_start3A_148 = arith.constant 0 : i32
    %dma_start3A_149 = tpu.memref_slice %arg4[%add3A_147, %dma_start3A_148] : memref<16384x256xf32, #tpu.memory_space<hbm>> -> memref<128x256xf32, #tpu.memory_space<hbm>>
    %dma_start3A_150 = arith.constant 0 : i32
    %dma_start3A_151 = tpu.memref_slice %arg4[%add3A_147, %dma_start3A_150] : memref<16384x256xf32, #tpu.memory_space<hbm>> -> memref<128x256xf32, #tpu.memory_space<hbm>>
    tpu.enqueue_dma source(%arg8 : memref<128x256xf32, #tpu.memory_space<vmem>>) target(%dma_start3A_151 : memref<128x256xf32, #tpu.memory_space<hbm>>) target_semaphore(%arg14 : memref<!tpu.dma_semaphore, #tpu.memory_space<semaphore_mem>>)
    %dma_wait3A_152 = arith.constant 3 : i32
    %dma_wait3A_153 = arith.constant 0 : i32
    %dma_wait3A_154 = tpu.memref_slice %arg5[%dma_wait3A_152, %dma_wait3A_153] : memref<4x128xi32, #tpu.memory_space<vmem>> -> memref<1x128xi32, #tpu.memory_space<vmem>>
    %dma_wait3A_155 = tpu.memref_squeeze %dma_wait3A_154 : memref<1x128xi32, #tpu.memory_space<vmem>> -> memref<128xi32, #tpu.memory_space<vmem>>
    %dma_wait3A_156 = arith.constant 0 : i32
    %dma_wait3A_157 = arith.constant 0 : i32
    %dma_wait3A_158 = tpu.memref_slice %arg3[%dma_wait3A_156, %dma_wait3A_157] : memref<8192x256xf32, #tpu.memory_space<hbm>> -> memref<8192x256xf32, #tpu.memory_space<hbm>>
    tpu.wait_indirect_dma semaphore(%arg9 : memref<!tpu.dma_semaphore, #tpu.memory_space<semaphore_mem>>) src(%dma_wait3A_158 : memref<8192x256xf32, #tpu.memory_space<hbm>>) dst(%arg6 : memref<128x256xf32, #tpu.memory_space<vmem>>)
    %add3A_159 = arith.constant 384 : i32
    %add3A_160 = arith.addi %mul3A_2, %add3A_159 : i32
    %dma_start3A_161 = arith.constant 0 : i32
    %dma_start3A_162 = tpu.memref_slice %arg4[%add3A_160, %dma_start3A_161] : memref<16384x256xf32, #tpu.memory_space<hbm>> -> memref<128x256xf32, #tpu.memory_space<hbm>>
    %dma_start3A_163 = arith.constant 0 : i32
    %dma_start3A_164 = tpu.memref_slice %arg4[%add3A_160, %dma_start3A_163] : memref<16384x256xf32, #tpu.memory_space<hbm>> -> memref<128x256xf32, #tpu.memory_space<hbm>>
    tpu.enqueue_dma source(%arg6 : memref<128x256xf32, #tpu.memory_space<vmem>>) target(%dma_start3A_164 : memref<128x256xf32, #tpu.memory_space<hbm>>) target_semaphore(%arg12 : memref<!tpu.dma_semaphore, #tpu.memory_space<semaphore_mem>>)
    %dma_wait3A_165 = arith.constant 0 : i32
    %dma_wait3A_166 = tpu.memref_slice %arg4[%add3A_123, %dma_wait3A_165] : memref<16384x256xf32, #tpu.memory_space<hbm>> -> memref<128x256xf32, #tpu.memory_space<hbm>>
    %dma_wait3A_167 = arith.constant 0 : i32
    %dma_wait3A_168 = tpu.memref_slice %arg4[%add3A_123, %dma_wait3A_167] : memref<16384x256xf32, #tpu.memory_space<hbm>> -> memref<128x256xf32, #tpu.memory_space<hbm>>
    tpu.wait_dma2 semaphore(%arg13 : memref<!tpu.dma_semaphore, #tpu.memory_space<semaphore_mem>>) src(%arg7 : memref<128x256xf32, #tpu.memory_space<vmem>>) dst(%dma_wait3A_168 : memref<128x256xf32, #tpu.memory_space<hbm>>)
    %dma_wait3A_169 = arith.constant 0 : i32
    %dma_wait3A_170 = tpu.memref_slice %arg4[%add3A_147, %dma_wait3A_169] : memref<16384x256xf32, #tpu.memory_space<hbm>> -> memref<128x256xf32, #tpu.memory_space<hbm>>
    %dma_wait3A_171 = arith.constant 0 : i32
    %dma_wait3A_172 = tpu.memref_slice %arg4[%add3A_147, %dma_wait3A_171] : memref<16384x256xf32, #tpu.memory_space<hbm>> -> memref<128x256xf32, #tpu.memory_space<hbm>>
    tpu.wait_dma2 semaphore(%arg14 : memref<!tpu.dma_semaphore, #tpu.memory_space<semaphore_mem>>) src(%arg8 : memref<128x256xf32, #tpu.memory_space<vmem>>) dst(%dma_wait3A_172 : memref<128x256xf32, #tpu.memory_space<hbm>>)
    %dma_wait3A_173 = arith.constant 0 : i32
    %dma_wait3A_174 = tpu.memref_slice %arg4[%add3A_160, %dma_wait3A_173] : memref<16384x256xf32, #tpu.memory_space<hbm>> -> memref<128x256xf32, #tpu.memory_space<hbm>>
    %dma_wait3A_175 = arith.constant 0 : i32
    %dma_wait3A_176 = tpu.memref_slice %arg4[%add3A_160, %dma_wait3A_175] : memref<16384x256xf32, #tpu.memory_space<hbm>> -> memref<128x256xf32, #tpu.memory_space<hbm>>
    tpu.wait_dma2 semaphore(%arg12 : memref<!tpu.dma_semaphore, #tpu.memory_space<semaphore_mem>>) src(%arg6 : memref<128x256xf32, #tpu.memory_space<vmem>>) dst(%dma_wait3A_176 : memref<128x256xf32, #tpu.memory_space<hbm>>)
    return
  }
}

</mosaic_0001>

<sc_bundles>
// kernel: kernel.3.cloned.1.call-start
scs
__scs_entry_jumppad:
0x0: {  	(pc) =	sbr.rel $0x88, $3  }
0x1: {  	(tag) =	ssettag $0x0;
	lr =	simm.s32 $0x1  }
0x2: {  	[smem:$0x3F9F] =	sst lr;
	_ =	strace $0xD0000000  }
0x3: {  	_ = 	snop  }
0x4: {  	_ = 	snop  }
0x5: {  	_ = 	snop  }
0x6: {  	_ = 	snop  }
0x7: {  	_ = 	snop  }
__scs_overlays_trampoline_lowered:
0x8: {  	[smem:$0x3FAE] =	sst s0  }
0x9: {  	[smem:$0x3FAF] =	sst s1  }
0xa: {  	[smem:$0x3FB0] =	sst s2  }
0xb: {  	[smem:$0x3FB1] =	sst s3  }
0xc: {  	[smem:$0x3FB2] =	sst s4  }
0xd: {  	[smem:$0x3FB3] =	sst s5  }
0xe: {  	[smem:$0x3FB4] =	sst s6  }
0xf: {  	[smem:$0x3FB5] =	sst s7  }
0x10: {  	[smem:$0x3FB6] =	sst s8  }
0x11: {  	[smem:$0x3FB7] =	sst s9;
	s0 =	simm.s32 @!p0 $0x0  }
0x12: {  	s1 =	sld [smem:$0x3F9D];
	s0 =	simm.s32 @p0 $0x1  }
0x13: {  	[smem:$0x3FB8] =	sst s0;
	s0 =	simm.s32 @!p1 $0x0  }
0x14: {  	s2 =	sld [smem:$0x3F9C];
	s0 =	simm.s32 @p1 $0x1  }
0x15: {  	[smem:$0x3FB9] =	sst s0;
	s0 =	simm.s32 @!p2 $0x0  }
0x16: {  	s3 =	sld [smem:$0x3FDB];
	s0 =	simm.s32 @p2 $0x1  }
0x17: {  	s4 =	simm.s32 $0x1BF5;
	[smem:$0x3FBB] =	sst s0  }
0x18: {  	s0 =	sld [smem:$0x3F9E];
	_ =	swait.ge [sflag:s4], $0x0  }
0x19: {  	s7 =	sld [smem:$0x3F9F]  }
0x1a: {  	s8 =	sadd.s32 $0xFFFFE003, lr  }
0x1b: {  	s9 =	sadd.s32 $0xFFFFFEF7, lr;
	s5 =	simm.s32 $0xFFFFFFFF;
	p2 =	slt.u32 s8, $0xFFFFF086  }
0x1c: {  	p1 =	slt.u32 s9, $0xF7A;
	s5 =	simm.s32 @!p2 $0x0  }
0x1d: {  	s5 =	simm.s32 @p1 $0x1;
	p0 =	seq.s32 s7, s2  }
0x1e: {  	s7 =	smul.u32 @!p0 $0xF7A, s2;
	p2 =	seq.s32 @!p0 s5, $0x0  }
0x1f: {  	s9 =	smul.u32 $0xF7A, s1;
	s8 =	simm.s32 @!p0 $0x1BF5;
	p2 =	por !p2, p0  }
0x20: {  	[sflag:s8] =	ssyncset.s32 @!p0 $0xFFFFF086;
	s6 =	sadd.s32 @!p0 s3, s7;
	s7 =	simm.s32 @!p0 $0x108  }
0x21: {  	s3 =	sadd.s32 s3, s9;
	s6 =	sadd.s32 @!p0 $0x88, s6;
	s7 =	simm.s32 @p2 $0x1082  }
0x22: {  	[simem:s7], [sflag:s8] =	dma.local @!p0 [hbm:s6], $0xF7A  }
0x23: {  	s9 =	sor.u32 $0xD0000000, s2;
	s6 =	simm.s32 $0x108;
	_ =	swait.ge @!p0 [sflag:s8], $0x0  }
0x24: {  	s3 =	sadd.s32 $0x88, s3;
	s6 =	simm.s32 @!p1 $0x1082;
	[sflag:s4] =	ssyncset.s32 $0xFFFFF086  }
0x25: {  	[simem:s6], [sflag:s4] =	dma.local [hbm:s3], $0xF7A  }
0x26: {  	[smem:$0x3F9F] =	sst s1;
	(tag) =	ssettag s2;
	_ =	strace s9  }
0x27: {  	s1 =	sld [smem:$0x3FAF]  }
0x28: {  	s2 =	sld [smem:$0x3FB0]  }
0x29: {  	s4 =	sld [smem:$0x3FB2]  }
0x2a: {  	p0 =	seq.s32 s5, $0x0;
	s5 =	sld [smem:$0x3FB3]  }
0x2b: {  	s6 =	sld [smem:$0x3FB4]  }
0x2c: {  	s7 =	sld [smem:$0x3FB5]  }
0x2d: {  	s3 =	simm.s32 $0x108;
	s8 =	sld [smem:$0x3FB6]  }
0x2e: {  	s3 =	simm.s32 @!p0 $0x1082;
	s9 =	sld [smem:$0x3FB7]  }
0x2f: {  	lr =	sadd.s32 s0, s3;
	s0 =	sld [smem:$0x3FAE]  }
0x30: {  	s3 =	sld [smem:$0x3FB1]  }
0x31: {  	[smem:$0x3FBA] =	sst s10  }
0x32: {  	s10 =	sld [smem:$0x3FB8];
	_ =	sdelay $0x3  }
0x33: {  	p0 =	seq.s32 s10, $0x1;
	s10 =	sld [smem:$0x3FBA];
	_ =	sdelay $0x3  }
0x34: {  	[smem:$0x3FBA] =	sst s10  }
0x35: {  	s10 =	sld [smem:$0x3FB9];
	_ =	sdelay $0x3  }
0x36: {  	p1 =	seq.s32 s10, $0x1;
	s10 =	sld [smem:$0x3FBA];
	_ =	sdelay $0x3  }
0x37: {  	[smem:$0x3FBA] =	sst s10  }
0x38: {  	s10 =	sld [smem:$0x3FBB]  }
0x39: {  	_ = 	snop;
	(pc) =	sbr.ind lr, $3  }
0x3a: {  	_ = 	snop  }
0x3b: {  	_ = 	snop  }
0x3c: {  	p2 =	seq.s32 s10, $0x1;
	s10 =	sld [smem:$0x3FBA]  }
0x3d: {  	_ =	shalt  }
0x3e: {  	_ =	shalt  }
0x3f: {  	_ =	shalt  }
0x40: {  	_ =	shalt  }
0x41: {  	_ =	shalt  }
0x42: {  	_ =	shalt  }
0x43: {  	_ =	shalt  }
0x44: {  	_ =	shalt  }
0x45: {  	_ =	shalt  }
0x46: {  	_ =	shalt  }
0x47: {  	_ =	shalt  }
0x48: {  	_ =	shalt  }
0x49: {  	_ =	shalt  }
0x4a: {  	_ =	shalt  }
0x4b: {  	_ =	shalt  }
0x4c: {  	_ =	shalt  }
0x4d: {  	_ =	shalt  }
0x4e: {  	_ =	shalt  }
0x4f: {  	_ =	shalt  }
0x50: {  	_ =	shalt  }
0x51: {  	_ =	shalt  }
0x52: {  	_ =	shalt  }
0x53: {  	_ =	shalt  }
0x54: {  	_ =	shalt  }
0x55: {  	_ =	shalt  }
0x56: {  	_ =	shalt  }
0x57: {  	_ =	shalt  }
0x58: {  	_ =	shalt  }
0x59: {  	_ =	shalt  }
0x5a: {  	_ =	shalt  }
0x5b: {  	_ =	shalt  }
0x5c: {  	_ =	shalt  }
0x5d: {  	_ =	shalt  }
0x5e: {  	_ =	shalt  }
0x5f: {  	_ =	shalt  }
0x60: {  	_ =	shalt  }
0x61: {  	_ =	shalt  }
0x62: {  	_ =	shalt  }
0x63: {  	_ =	shalt  }
0x64: {  	_ =	shalt  }
0x65: {  	_ =	shalt  }
0x66: {  	_ =	shalt  }
0x67: {  	_ =	shalt  }
0x68: {  	_ =	shalt  }
0x69: {  	_ =	shalt  }
0x6a: {  	_ =	shalt  }
0x6b: {  	_ =	shalt  }
0x6c: {  	_ =	shalt  }
0x6d: {  	_ =	shalt  }
0x6e: {  	_ =	shalt  }
0x6f: {  	_ =	shalt  }
0x70: {  	_ =	shalt  }
0x71: {  	_ =	shalt  }
0x72: {  	_ =	shalt  }
0x73: {  	_ =	shalt  }
0x74: {  	_ =	shalt  }
0x75: {  	_ =	shalt  }
0x76: {  	_ =	shalt  }
0x77: {  	_ =	shalt  }
0x78: {  	_ =	shalt  }
0x79: {  	_ =	shalt  }
0x7a: {  	_ =	shalt  }
0x7b: {  	_ =	shalt  }
0x7c: {  	_ =	shalt  }
0x7d: {  	_ =	shalt  }
0x7e: {  	_ =	shalt  }
0x7f: {  	_ =	shalt  }
0x80: {  	_ =	shalt  }
0x81: {  	_ =	shalt  }
0x82: {  	_ =	shalt  }
0x83: {  	_ =	shalt  }
0x84: {  	_ =	shalt  }
0x85: {  	_ =	shalt  }
0x86: {  	_ =	shalt  }
0x87: {  	_ =	shalt  }
.Lfunc_end0:
.L_simem_size_0:
called_computation_lowered:
.L_overlay_start_0:
0x88: {  	s2 =	sld [smem:$0x3FD9]  }
0x89: {  	s3 =	sld [smem:$0x3FFE];
	_ =	sdelay $0x1  }
0x8a: {  	s1 =	srdreg.scid  }
0x8b: {  	s0 =	sand.u32 $0x1, s1  }
0x8c: {  	s18 =	sshll.u32 s0, $0xA;
	s2 =	sadd.s32 s3, s2  }
0x8d: {  	s2 =	sadd.s32 s2, s18  }
0x8e: {  	[smem:$0x3FC6] =	sst s2  }
0x8f: {  	_ = 	snop  }
0x90: {  	s2 =	sld [smem:$0x3FC9]  }
0x91: {  	s19 =	sld [smem:$0x3FC8]  }
0x92: {  	s4 =	sld [smem:$0x3FD0];
	(tm) =	ssettm $0x1  }
0x93: {  	s5 =	sld [smem:$0x3FFB];
	_ =	sdelay $0x3  }
0x94: {  	_ =	strace s5  }
0x95: {  	s5 =	sld [smem:$0x3FFC];
	_ =	sdelay $0x3  }
0x96: {  	_ =	strace s5  }
0x97: {  	s5 =	sld [smem:$0x3FFD];
	_ =	sdelay $0x3  }
0x98: {  	_ =	strace s5  }
0x99: {  	_ =	strace $0x8FFFFFFF  }
0x9a: {  	s20 =	sld [smem:$0x3FDB];
	_ =	sdelay $0x1  }
0x9b: {  	s6 =	simm.s32 $_scs_section_size  }
0x9c: {  	s7 =	simm.s32 $_size__tile_overlayer_lowered;
	s8 =	simm.s32 $_tile_overlayer_lowered  }
0x9d: {  	s23 =	simm.s32 $0x1BFF;
	s22 =	sshll.u32 s8, $0x1;
	s5 =	sadd.s32 s6, s20  }
0x9e: {  	s9 =	simm.s32 $0x0;
	s21 =	sshll.u32 s7, $0x1;
	s7 =	sadd.s32 s22, s5  }
0x9f: {  	[timem:s9], [sflag:s23] =	dma.local [hbm:s7], s21  }
0xa0: {  	_ =	swait.ge [sflag:s23], s21  }
0xa1: {  	s6 =	ssub.s32 $0x0, s21;
	[sflag:s23] =	ssyncset.done $0x0  }
0xa2: {  	[sflag:s23] =	ssyncadd.s32 s6;
	_ =	sdelay $0x1  }
0xa3: {  	s24 =	simm.s32 $0x1B8B  }
0xa4: {  	_ =	swait.ge [sflag:s24], $0x1  }
0xa5: {  	[sflag:s24] =	ssyncset.done $0x0  }
0xa6: {  	s25 =	simm.s32 $0x1B8E;
	[sflag:s24] =	ssyncadd.s32 $0xFFFFFFFF  }
0xa7: {  	s26 =	simm.s32 $execute0_lowered;
	[smem:$0x3FD2] =	sst s25  }
0xa8: {  	s6 =	sshll.u32 s26, $0x1;
	_ =	strace $0x80000046;
	[dreg:$0x1] =	wrdreg $0xFFFFFFFF  }
0xa9: {  	s28 =	simm.s32 $_size_execute0_lowered;
	s5 =	sadd.s32 s5, s6;
	[dreg:$0x0] =	wrdreg $0x0  }
0xaa: {  	s6 =	sshll.u32 s28, $0x1;
	[dreg:$0x2] =	wrdreg s5  }
0xab: {  	[dreg:$0x3] =	wrdreg s6  }
0xac: {  	[dreg:$0x4] =	wrdreg $0xC0  }
0xad: {  	_ =	task [dreg:s9], $0x5FFFF  }
0xae: {  	[dreg:$0x1] =	wrdreg $0xFFFFFFFF  }
0xaf: {  	[dreg:$0x0] =	wrdreg $0x60  }
0xb0: {  	[dreg:$0x2] =	wrdreg s2  }
0xb1: {  	[dreg:$0x3] =	wrdreg s19  }
0xb2: {  	[dreg:$0x4] =	wrdreg s4  }
0xb3: {  	[dreg:$0x5] =	wrdreg $0x9  }
0xb4: {  	_ =	task.clear_ibuf [dreg:s9], $0x6FFFF;
	_ =	strace $0x90000046  }
0xb5: {  	s29 =	simm.s32 $0x9;
	_ =	strace $0x80000048  }
0xb6: {  	_ =	swait.ge [sflag:s29], $0x1  }
0xb7: {  	[sflag:s29] =	ssyncadd.s32 $0xFFFFFFFF  }
0xb8: {  	_ =	strace $0x90000048  }
0xb9: {  	_ =	sfence  }
0xba: {  	s30 =	sld [smem:$0x0];
	_ =	sdelay $0x2  }
0xbb: {  	s31 =	sshll.u32 s1, $0xD;
	s1 =	sshrl.u32 s1, $0x2  }
0xbc: {  	s3 =	sand.u32 $0x4000, s31;
	s1 =	sadd.s32 s1, s30  }
0xbd: {  	s0 =	sor.u32 s3, s0;
	s1 =	sshll.u32 s1, $0x11  }
0xbe: {  	s0 =	sor.u32 s1, s0  }
0xbf: {  	s0 =	sadd.s32 $0x8F2B, s0  }
0xc0: {  	[sflag:s0] =	ssyncadd.remote.s32 $0x1  }
0xc1: {  	_ =	sfence.sel $0xFFFF  }
0xc2: {  	[dreg:$0x0] =	wrdreg $0xFFFFFFFF;
	(pc) =	sbr.abs _section_cstart, $3  }
0xc3: {  	[dreg:$0x1] =	wrdreg $0xFFFFFFFF  }
0xc4: {  	_ =	task.clear_ibuf [dreg:s9], $0x2FFFF;
	_ =	strace $0x9FFFFFFF  }
0xc5: {  	(tm) =	ssettm $0x7FFFFFFF  }
tec
execute0_lowered:
.L_overlay_start_1:
0x0: {  	(tag) =	ssettag $0x1  }
0x1: {  	s0 =	srdreg.scid  }
0x2: {  	s1 =	rddreg [dreg:$0x0];
	s3 =	stileid.u32;
	s0 =	sand.u32 $0x1, s0  }
0x3: {  	s2 =	rddreg [dreg:$0x1];
	s3 =	sshll.u32 s3, $0xA;
	s4 =	sshll.u32 s0, $0x9  }
0x4: {  	s5 =	rddreg [dreg:$0x2];
	s6 =	sor.u32 s4, s3;
	s3 =	simm.s32 $0x0  }
0x5: {  	s17 =	simm.s32 $0x80;
	[smem:$0x7FF] =	sst s3  }
0x6: {  	s18 =	simm.s32 $0x8A00;
	_ =	strace $0x80000047;
	[dreg:$0x8] =	wrdreg s17  }
0x7: {  	s19 =	simm.s32 $0x9200;
	[dreg:$0x9] =	wrdreg s18  }
0x8: {  	s20 =	simm.s32 $0x9A00;
	[dreg:$0xa] =	wrdreg s19  }
0x9: {  	s21 =	simm.s32 $0xA200;
	[dreg:$0xb] =	wrdreg s20  }
0xa: {  	s22 =	simm.s32 $0xAA00;
	[dreg:$0xc] =	wrdreg s21  }
0xb: {  	s23 =	simm.s32 $0xB200;
	[dreg:$0xd] =	wrdreg s22  }
0xc: {  	s24 =	simm.s32 $0xBA00;
	[dreg:$0xe] =	wrdreg s23  }
0xd: {  	s25 =	simm.s32 $0xC200;
	[dreg:$0xf] =	wrdreg s24  }
0xe: {  	s26 =	simm.s32 $0xCA00;
	[dreg:$0x10] =	wrdreg s25  }
0xf: {  	s7 =	simm.s32 $0xDA00;
	[dreg:$0x11] =	wrdreg s26  }
0x10: {  	s8 =	simm.s32 $0xE200;
	s9 =	simm.s32 $0xEA00;
	[dreg:$0x13] =	wrdreg s7  }
0x11: {  	s10 =	simm.s32 $0xF200;
	s11 =	simm.s32 $0xFA00;
	[dreg:$0x14] =	wrdreg s8  }
0x12: {  	s28 =	simm.s32 $0x10200;
	s29 =	simm.s32 $0x2;
	[dreg:$0x15] =	wrdreg s9  }
0x13: {  	s30 =	simm.s32 $0x4;
	s4 =	sshrl.u32 s6, $0x3;
	[dreg:$0x16] =	wrdreg s10  }
0x14: {  	s12 =	sshll.u32 s6, $0x5;
	s4 =	sadd.s32 s1, s4;
	[dreg:$0x17] =	wrdreg s11  }
0x15: {  	s31 =	simm.s32 $0x3;
	s14 =	sadd.s32 s5, s12;
	[smem:$0x7F5] =	sst s4  }
0x16: {  	s0 =	ssub.s32 $0x2, s0;
	s5 =	simm.s32 $0xD200;
	[smem:$0x7F6] =	sst s14  }
0x17: {  	s7 =	simm.s32 $0x7;
	s12 =	simm.s32 $0x10A00;
	[dreg:$0x12] =	wrdreg s5  }
0x18: {  	s8 =	simm.s32 $0x200;
	s17 =	simm.s32 $0x13200;
	[dreg:$0x18] =	wrdreg s12  }
0x19: {  	s18 =	simm.s32 $0x13A00;
	s19 =	simm.s32 $0x14200;
	[dreg:$0x1d] =	wrdreg s17  }
0x1a: {  	s20 =	simm.s32 $0x14A00;
	s21 =	simm.s32 $0x15200;
	[dreg:$0x1e] =	wrdreg s18  }
0x1b: {  	s22 =	simm.s32 $0x15A00;
	s23 =	simm.s32 $0x16200;
	[dreg:$0x1f] =	wrdreg s19  }
0x1c: {  	s24 =	simm.s32 $0x16A00;
	s25 =	simm.s32 $0x17200;
	[smem:$0x7F7] =	sst s20  }
0x1d: {  	s26 =	simm.s32 $0x17A00;
	s11 =	simm.s32 $0x1200;
	[smem:$0x7F8] =	sst s21  }
0x1e: {  	s13 =	sadd.s32 $0x10, s4;
	s1 =	sadd.s32 $0x1000, s14;
	[smem:$0x7F9] =	sst s22  }
0x1f: {  	s15 =	sadd.s32 $0x2000, s14;
	s16 =	sadd.s32 $0x3000, s14;
	[smem:$0x7FA] =	sst s23  }
0x20: {  	s4 =	sshrl.u32 s0, $0x1;
	s14 =	simm.s32 $0x11A00;
	[smem:$0x7FB] =	sst s24  }
0x21: {  	s17 =	simm.s32 $0x4A00;
	s18 =	simm.s32 $0x5200;
	[smem:$0x7FC] =	sst s25  }
0x22: {  	s19 =	simm.s32 $0x5A00;
	s20 =	simm.s32 $0x6200;
	[smem:$0x7FD] =	sst s26  }
0x23: {  	s21 =	simm.s32 $0x6A00;
	s22 =	simm.s32 $0x7200;
	[dreg:$0x4] =	wrdreg s13  }
0x24: {  	s23 =	simm.s32 $0x7A00;
	s24 =	simm.s32 $0x8;
	[dreg:$0x5] =	wrdreg s1  }
0x25: {  	s25 =	simm.s32 $0x8200;
	s26 =	simm.s32 $0x1;
	[dreg:$0x6] =	wrdreg s15  }
0x26: {  	s12 =	simm.s32 $0x1A00;
	s5 =	simm.s32 $0x2200;
	[dreg:$0x7] =	wrdreg s16  }
0x27: {  	s0 =	ssub.s32 s0, s4;
	s13 =	simm.s32 $0x11200;
	[dreg:$0x1a] =	wrdreg s14  }
0x28: {  	s15 =	simm.s32 $0x12200;
	s14 =	simm.s32 $0x3200;
	s16 =	simm.s32 $0x12A00  }
0x29: {  	v2 =	vlaneseq.u32;
	s1 =	simm.s32 $0x5;
	s6 =	smax.u32 s0, $0x1;
	[dreg:$0x19] =	wrdreg s13  }
0x2a: {  	vm0 =	vmmov $0xffff;
	v1 =	vshrl.u32 v2, $0x3;
	s13 =	simm.s32 $0x2A00;
	[dreg:$0x1b] =	wrdreg s15;
	s15 =	simm.s32 $0x3A00  }
0x2b: {  	v0 =	vand.u32 $0x7, v2;
	v2 =	vor.u32 $0x8, v2;
	v1 =	vmul.u32 $0x8, v1;
	[dreg:$0x1c] =	wrdreg s16;
	s16 =	simm.s32 $0x4200;
	s0 =	simm.s32 $0x6  }
.LBB2_1:
0x2c: {  	s10 =	sld [smem:$0x7F5];
	_ =	sdelay $0x1  }
0x2d: {  	s4 =	rddreg [dreg:$0x4]  }
0x2e: {  	[tilespmem:s3], [sflag:$0x7] =	stream.linear.gather [hbm4b:s10+s3], $0x80, $0x38;
	[tilespmem:$0x18200] =	vst v63  }
0x2f: {  	s9 =	rddreg [dreg:$0x8]  }
0x30: {  	[tilespmem:s9], [sflag:$0x8] =	stream.linear.gather [hbm4b:s4+s3], $0x180, $0x38;
	[tilespmem:$0x18200] =	vst v63  }
0x31: {  	_ =	swait.ge [sflag:s7], $0x80  }
0x32: {  	[sflag:s7] =	ssyncset.done $0x0  }
0x33: {  	[sflag:s7] =	ssyncadd.s32 $0xFFFFFF80  }
0x34: {  	v3 =	vld [tilespmem:$0x0];
	_ =	sdelay $0x4  }
0x35: {  	v4 =	vshll.u32 v3, $0x1  }
0x36: {  	v3 =	vand.u32 $0x7, v3;
	v4 =	vand.u32 $0xFFFFFFF0, v4  }
0x37: {  	v3 =	vor.u32 v3, v4  }
0x38: {  	v4 =	vperm.xlane v3, v0;
	_ =	sdelay $0x1  }
0x39: {  	v3 =	vperm.xlane v3, v2;
	v4 =	vadd.s32 v1, v4;
	_ =	sdelay $0x1  }
0x3a: {  	v3 =	vadd.s32 v1, v3;
	_ =	sdelay $0x2  }
0x3b: {  	[tilespmem:s8], [sflag:$0x1] =	stream.indirect_vreg.gather [hbm4b:s2+s3], $0x80, v4, vm0, $0xb8;
	[tilespmem:$0x18200] =	vst v63  }
0x3c: {  	s10 =	simm.s32 $0xA00  }
0x3d: {  	[tilespmem:s10], [sflag:$0x1] =	stream.indirect_vreg.gather [hbm4b:s2+s3], $0x80, v3, vm0, $0xb8;
	[tilespmem:$0x18200] =	vst v63  }
0x3e: {  	v3 =	vld [tilespmem:$0x10];
	_ =	sdelay $0x4  }
0x3f: {  	v33 =	vshll.u32 v3, $0x1  }
0x40: {  	v3 =	vand.u32 $0x7, v3;
	v4 =	vand.u32 $0xFFFFFFF0, v33  }
0x41: {  	v3 =	vor.u32 v3, v4  }
0x42: {  	v4 =	vperm.xlane v3, v0;
	_ =	sdelay $0x1  }
0x43: {  	v3 =	vperm.xlane v3, v2;
	v4 =	vadd.s32 v1, v4;
	_ =	sdelay $0x1  }
0x44: {  	v3 =	vadd.s32 v1, v3;
	_ =	sdelay $0x2  }
0x45: {  	[tilespmem:s11], [sflag:$0x1] =	stream.indirect_vreg.gather [hbm4b:s2+s3], $0x80, v4, vm0, $0xb8;
	[tilespmem:$0x18200] =	vst v63  }
0x46: {  	_ = 	snop  }
0x47: {  	[tilespmem:s12], [sflag:$0x1] =	stream.indirect_vreg.gather [hbm4b:s2+s3], $0x80, v3, vm0, $0xb8;
	[tilespmem:$0x18200] =	vst v63  }
0x48: {  	v3 =	vld [tilespmem:$0x20];
	_ =	sdelay $0x4  }
0x49: {  	v34 =	vshll.u32 v3, $0x1  }
0x4a: {  	v3 =	vand.u32 $0x7, v3;
	v4 =	vand.u32 $0xFFFFFFF0, v34  }
0x4b: {  	v3 =	vor.u32 v3, v4  }
0x4c: {  	v4 =	vperm.xlane v3, v0;
	_ =	sdelay $0x1  }
0x4d: {  	v3 =	vperm.xlane v3, v2;
	v4 =	vadd.s32 v1, v4;
	_ =	sdelay $0x1  }
0x4e: {  	v3 =	vadd.s32 v1, v3;
	_ =	sdelay $0x2  }
0x4f: {  	[tilespmem:s5], [sflag:$0x1] =	stream.indirect_vreg.gather [hbm4b:s2+s3], $0x80, v4, vm0, $0xb8;
	[tilespmem:$0x18200] =	vst v63  }
0x50: {  	_ = 	snop  }
0x51: {  	[tilespmem:s13], [sflag:$0x1] =	stream.indirect_vreg.gather [hbm4b:s2+s3], $0x80, v3, vm0, $0xb8;
	[tilespmem:$0x18200] =	vst v63  }
0x52: {  	v3 =	vld [tilespmem:$0x30];
	_ =	sdelay $0x4  }
0x53: {  	v35 =	vshll.u32 v3, $0x1  }
0x54: {  	v3 =	vand.u32 $0x7, v3;
	v4 =	vand.u32 $0xFFFFFFF0, v35  }
0x55: {  	v3 =	vor.u32 v3, v4  }
0x56: {  	v4 =	vperm.xlane v3, v0;
	_ =	sdelay $0x1  }
0x57: {  	v3 =	vperm.xlane v3, v2;
	v4 =	vadd.s32 v1, v4;
	_ =	sdelay $0x1  }
0x58: {  	v3 =	vadd.s32 v1, v3;
	_ =	sdelay $0x2  }
0x59: {  	[tilespmem:s14], [sflag:$0x1] =	stream.indirect_vreg.gather [hbm4b:s2+s3], $0x80, v4, vm0, $0xb8;
	[tilespmem:$0x18200] =	vst v63  }
0x5a: {  	_ = 	snop  }
0x5b: {  	[tilespmem:s15], [sflag:$0x1] =	stream.indirect_vreg.gather [hbm4b:s2+s3], $0x80, v3, vm0, $0xb8;
	[tilespmem:$0x18200] =	vst v63  }
0x5c: {  	v3 =	vld [tilespmem:$0x40];
	_ =	sdelay $0x4  }
0x5d: {  	v36 =	vshll.u32 v3, $0x1  }
0x5e: {  	v3 =	vand.u32 $0x7, v3;
	v4 =	vand.u32 $0xFFFFFFF0, v36  }
0x5f: {  	v3 =	vor.u32 v3, v4  }
0x60: {  	v4 =	vperm.xlane v3, v0;
	_ =	sdelay $0x1  }
0x61: {  	v3 =	vperm.xlane v3, v2;
	v4 =	vadd.s32 v1, v4;
	_ =	sdelay $0x1  }
0x62: {  	v3 =	vadd.s32 v1, v3;
	_ =	sdelay $0x2  }
0x63: {  	[tilespmem:s16], [sflag:$0x1] =	stream.indirect_vreg.gather [hbm4b:s2+s3], $0x80, v4, vm0, $0xb8;
	[tilespmem:$0x18200] =	vst v63  }
0x64: {  	_ = 	snop  }
0x65: {  	[tilespmem:s17], [sflag:$0x1] =	stream.indirect_vreg.gather [hbm4b:s2+s3], $0x80, v3, vm0, $0xb8;
	[tilespmem:$0x18200] =	vst v63  }
0x66: {  	v3 =	vld [tilespmem:$0x50];
	_ =	sdelay $0x4  }
0x67: {  	v37 =	vshll.u32 v3, $0x1  }
0x68: {  	v3 =	vand.u32 $0x7, v3;
	v4 =	vand.u32 $0xFFFFFFF0, v37  }
0x69: {  	v3 =	vor.u32 v3, v4  }
0x6a: {  	v4 =	vperm.xlane v3, v0;
	_ =	sdelay $0x1  }
0x6b: {  	v3 =	vperm.xlane v3, v2;
	v4 =	vadd.s32 v1, v4;
	_ =	sdelay $0x1  }
0x6c: {  	v3 =	vadd.s32 v1, v3;
	_ =	sdelay $0x2  }
0x6d: {  	[tilespmem:s18], [sflag:$0x1] =	stream.indirect_vreg.gather [hbm4b:s2+s3], $0x80, v4, vm0, $0xb8;
	[tilespmem:$0x18200] =	vst v63  }
0x6e: {  	_ = 	snop  }
0x6f: {  	[tilespmem:s19], [sflag:$0x1] =	stream.indirect_vreg.gather [hbm4b:s2+s3], $0x80, v3, vm0, $0xb8;
	[tilespmem:$0x18200] =	vst v63  }
0x70: {  	v3 =	vld [tilespmem:$0x60];
	_ =	sdelay $0x4  }
0x71: {  	v38 =	vshll.u32 v3, $0x1  }
0x72: {  	v3 =	vand.u32 $0x7, v3;
	v4 =	vand.u32 $0xFFFFFFF0, v38  }
0x73: {  	v3 =	vor.u32 v3, v4  }
0x74: {  	v4 =	vperm.xlane v3, v0;
	_ =	sdelay $0x1  }
0x75: {  	v3 =	vperm.xlane v3, v2;
	v4 =	vadd.s32 v1, v4;
	_ =	sdelay $0x1  }
0x76: {  	v3 =	vadd.s32 v1, v3;
	_ =	sdelay $0x2  }
0x77: {  	[tilespmem:s20], [sflag:$0x1] =	stream.indirect_vreg.gather [hbm4b:s2+s3], $0x80, v4, vm0, $0xb8;
	[tilespmem:$0x18200] =	vst v63  }
0x78: {  	_ = 	snop  }
0x79: {  	[tilespmem:s21], [sflag:$0x1] =	stream.indirect_vreg.gather [hbm4b:s2+s3], $0x80, v3, vm0, $0xb8;
	[tilespmem:$0x18200] =	vst v63  }
0x7a: {  	v3 =	vld [tilespmem:$0x70];
	_ =	sdelay $0x4  }
0x7b: {  	v39 =	vshll.u32 v3, $0x1  }
0x7c: {  	v3 =	vand.u32 $0x7, v3;
	v4 =	vand.u32 $0xFFFFFFF0, v39  }
0x7d: {  	v3 =	vor.u32 v3, v4  }
0x7e: {  	v4 =	vperm.xlane v3, v0;
	_ =	sdelay $0x1  }
0x7f: {  	v3 =	vperm.xlane v3, v2;
	v4 =	vadd.s32 v1, v4;
	_ =	sdelay $0x1  }
0x80: {  	v3 =	vadd.s32 v1, v3;
	_ =	sdelay $0x2  }
0x81: {  	[tilespmem:s22], [sflag:$0x1] =	stream.indirect_vreg.gather [hbm4b:s2+s3], $0x80, v4, vm0, $0xb8;
	[tilespmem:$0x18200] =	vst v63  }
0x82: {  	_ = 	snop  }
0x83: {  	[tilespmem:s23], [sflag:$0x1] =	stream.indirect_vreg.gather [hbm4b:s2+s3], $0x80, v3, vm0, $0xb8;
	[tilespmem:$0x18200] =	vst v63  }
0x84: {  	_ =	swait.ge [sflag:s24], $0x180  }
0x85: {  	[sflag:s24] =	ssyncset.done $0x0  }
0x86: {  	[sflag:s24] =	ssyncadd.s32 $0xFFFFFE80  }
0x87: {  	v3 =	vld [tilespmem:$0x80];
	_ =	sdelay $0x4  }
0x88: {  	v40 =	vshll.u32 v3, $0x1  }
0x89: {  	v3 =	vand.u32 $0x7, v3;
	v4 =	vand.u32 $0xFFFFFFF0, v40  }
0x8a: {  	v3 =	vor.u32 v3, v4  }
0x8b: {  	v4 =	vperm.xlane v3, v0;
	_ =	sdelay $0x1  }
0x8c: {  	v3 =	vperm.xlane v3, v2;
	v4 =	vadd.s32 v1, v4;
	_ =	sdelay $0x1  }
0x8d: {  	v3 =	vadd.s32 v1, v3;
	_ =	sdelay $0x2  }
0x8e: {  	[tilespmem:s25], [sflag:$0x2] =	stream.indirect_vreg.gather [hbm4b:s2+s3], $0x80, v4, vm0, $0xb8;
	[tilespmem:$0x18200] =	vst v63  }
0x8f: {  	s9 =	rddreg [dreg:$0x9]  }
0x90: {  	[tilespmem:s9], [sflag:$0x2] =	stream.indirect_vreg.gather [hbm4b:s2+s3], $0x80, v3, vm0, $0xb8;
	[tilespmem:$0x18200] =	vst v63  }
0x91: {  	v3 =	vld [tilespmem:$0x90];
	_ =	sdelay $0x4  }
0x92: {  	v41 =	vshll.u32 v3, $0x1  }
0x93: {  	v3 =	vand.u32 $0x7, v3;
	v4 =	vand.u32 $0xFFFFFFF0, v41  }
0x94: {  	v3 =	vor.u32 v3, v4  }
0x95: {  	v4 =	vperm.xlane v3, v0;
	_ =	sdelay $0x1  }
0x96: {  	v3 =	vperm.xlane v3, v2;
	v4 =	vadd.s32 v1, v4;
	_ =	sdelay $0x1  }
0x97: {  	v3 =	vadd.s32 v1, v3;
	_ =	sdelay $0x1  }
0x98: {  	s4 =	rddreg [dreg:$0xa]  }
0x99: {  	[tilespmem:s4], [sflag:$0x2] =	stream.indirect_vreg.gather [hbm4b:s2+s3], $0x80, v4, vm0, $0xb8;
	[tilespmem:$0x18200] =	vst v63  }
0x9a: {  	s9 =	rddreg [dreg:$0xb]  }
0x9b: {  	[tilespmem:s9], [sflag:$0x2] =	stream.indirect_vreg.gather [hbm4b:s2+s3], $0x80, v3, vm0, $0xb8;
	[tilespmem:$0x18200] =	vst v63  }
0x9c: {  	v3 =	vld [tilespmem:$0xA0];
	_ =	sdelay $0x4  }
0x9d: {  	v42 =	vshll.u32 v3, $0x1  }
0x9e: {  	v3 =	vand.u32 $0x7, v3;
	v4 =	vand.u32 $0xFFFFFFF0, v42  }
0x9f: {  	v3 =	vor.u32 v3, v4  }
0xa0: {  	v4 =	vperm.xlane v3, v0;
	_ =	sdelay $0x1  }
0xa1: {  	v3 =	vperm.xlane v3, v2;
	v4 =	vadd.s32 v1, v4;
	_ =	sdelay $0x1  }
0xa2: {  	v3 =	vadd.s32 v1, v3;
	_ =	sdelay $0x1  }
0xa3: {  	s4 =	rddreg [dreg:$0xc]  }
0xa4: {  	[tilespmem:s4], [sflag:$0x2] =	stream.indirect_vreg.gather [hbm4b:s2+s3], $0x80, v4, vm0, $0xb8;
	[tilespmem:$0x18200] =	vst v63  }
0xa5: {  	s9 =	rddreg [dreg:$0xd]  }
0xa6: {  	[tilespmem:s9], [sflag:$0x2] =	stream.indirect_vreg.gather [hbm4b:s2+s3], $0x80, v3, vm0, $0xb8;
	[tilespmem:$0x18200] =	vst v63  }
0xa7: {  	v3 =	vld [tilespmem:$0xB0];
	_ =	sdelay $0x4  }
0xa8: {  	v43 =	vshll.u32 v3, $0x1  }
0xa9: {  	v3 =	vand.u32 $0x7, v3;
	v4 =	vand.u32 $0xFFFFFFF0, v43  }
0xaa: {  	v3 =	vor.u32 v3, v4  }
0xab: {  	v4 =	vperm.xlane v3, v0;
	_ =	sdelay $0x1  }
0xac: {  	v3 =	vperm.xlane v3, v2;
	v4 =	vadd.s32 v1, v4;
	_ =	sdelay $0x1  }
0xad: {  	v3 =	vadd.s32 v1, v3;
	_ =	sdelay $0x1  }
0xae: {  	s4 =	rddreg [dreg:$0xe]  }
0xaf: {  	[tilespmem:s4], [sflag:$0x2] =	stream.indirect_vreg.gather [hbm4b:s2+s3], $0x80, v4, vm0, $0xb8;
	[tilespmem:$0x18200] =	vst v63  }
0xb0: {  	s9 =	rddreg [dreg:$0xf]  }
0xb1: {  	[tilespmem:s9], [sflag:$0x2] =	stream.indirect_vreg.gather [hbm4b:s2+s3], $0x80, v3, vm0, $0xb8;
	[tilespmem:$0x18200] =	vst v63  }
0xb2: {  	v3 =	vld [tilespmem:$0xC0];
	_ =	sdelay $0x4  }
0xb3: {  	v44 =	vshll.u32 v3, $0x1  }
0xb4: {  	v3 =	vand.u32 $0x7, v3;
	v4 =	vand.u32 $0xFFFFFFF0, v44  }
0xb5: {  	v3 =	vor.u32 v3, v4  }
0xb6: {  	v4 =	vperm.xlane v3, v0;
	_ =	sdelay $0x1  }
0xb7: {  	v3 =	vperm.xlane v3, v2;
	v4 =	vadd.s32 v1, v4;
	_ =	sdelay $0x1  }
0xb8: {  	v3 =	vadd.s32 v1, v3;
	_ =	sdelay $0x1  }
0xb9: {  	s4 =	rddreg [dreg:$0x10]  }
0xba: {  	[tilespmem:s4], [sflag:$0x2] =	stream.indirect_vreg.gather [hbm4b:s2+s3], $0x80, v4, vm0, $0xb8;
	[tilespmem:$0x18200] =	vst v63  }
0xbb: {  	s9 =	rddreg [dreg:$0x11]  }
0xbc: {  	[tilespmem:s9], [sflag:$0x2] =	stream.indirect_vreg.gather [hbm4b:s2+s3], $0x80, v3, vm0, $0xb8;
	[tilespmem:$0x18200] =	vst v63  }
0xbd: {  	v3 =	vld [tilespmem:$0xD0];
	_ =	sdelay $0x4  }
0xbe: {  	v45 =	vshll.u32 v3, $0x1  }
0xbf: {  	v3 =	vand.u32 $0x7, v3;
	v4 =	vand.u32 $0xFFFFFFF0, v45  }
0xc0: {  	v3 =	vor.u32 v3, v4  }
0xc1: {  	v4 =	vperm.xlane v3, v0;
	_ =	sdelay $0x1  }
0xc2: {  	v3 =	vperm.xlane v3, v2;
	v4 =	vadd.s32 v1, v4;
	_ =	sdelay $0x1  }
0xc3: {  	v3 =	vadd.s32 v1, v3;
	_ =	sdelay $0x1  }
0xc4: {  	s4 =	rddreg [dreg:$0x12]  }
0xc5: {  	[tilespmem:s4], [sflag:$0x2] =	stream.indirect_vreg.gather [hbm4b:s2+s3], $0x80, v4, vm0, $0xb8;
	[tilespmem:$0x18200] =	vst v63  }
0xc6: {  	s9 =	rddreg [dreg:$0x13]  }
0xc7: {  	[tilespmem:s9], [sflag:$0x2] =	stream.indirect_vreg.gather [hbm4b:s2+s3], $0x80, v3, vm0, $0xb8;
	[tilespmem:$0x18200] =	vst v63  }
0xc8: {  	v3 =	vld [tilespmem:$0xE0];
	_ =	sdelay $0x4  }
0xc9: {  	v46 =	vshll.u32 v3, $0x1  }
0xca: {  	v3 =	vand.u32 $0x7, v3;
	v4 =	vand.u32 $0xFFFFFFF0, v46  }
0xcb: {  	v3 =	vor.u32 v3, v4  }
0xcc: {  	v4 =	vperm.xlane v3, v0;
	_ =	sdelay $0x1  }
0xcd: {  	v3 =	vperm.xlane v3, v2;
	v4 =	vadd.s32 v1, v4;
	_ =	sdelay $0x1  }
0xce: {  	v3 =	vadd.s32 v1, v3;
	_ =	sdelay $0x1  }
0xcf: {  	s4 =	rddreg [dreg:$0x14]  }
0xd0: {  	[tilespmem:s4], [sflag:$0x2] =	stream.indirect_vreg.gather [hbm4b:s2+s3], $0x80, v4, vm0, $0xb8;
	[tilespmem:$0x18200] =	vst v63  }
0xd1: {  	s9 =	rddreg [dreg:$0x15]  }
0xd2: {  	[tilespmem:s9], [sflag:$0x2] =	stream.indirect_vreg.gather [hbm4b:s2+s3], $0x80, v3, vm0, $0xb8;
	[tilespmem:$0x18200] =	vst v63  }
0xd3: {  	v3 =	vld [tilespmem:$0xF0];
	_ =	sdelay $0x4  }
0xd4: {  	v47 =	vshll.u32 v3, $0x1  }
0xd5: {  	v3 =	vand.u32 $0x7, v3;
	v4 =	vand.u32 $0xFFFFFFF0, v47  }
0xd6: {  	v3 =	vor.u32 v3, v4  }
0xd7: {  	v4 =	vperm.xlane v3, v0;
	_ =	sdelay $0x1  }
0xd8: {  	v3 =	vperm.xlane v3, v2;
	v4 =	vadd.s32 v1, v4;
	_ =	sdelay $0x1  }
0xd9: {  	v3 =	vadd.s32 v1, v3;
	_ =	sdelay $0x1  }
0xda: {  	s4 =	rddreg [dreg:$0x16]  }
0xdb: {  	[tilespmem:s4], [sflag:$0x2] =	stream.indirect_vreg.gather [hbm4b:s2+s3], $0x80, v4, vm0, $0xb8;
	[tilespmem:$0x18200] =	vst v63  }
0xdc: {  	s9 =	rddreg [dreg:$0x17]  }
0xdd: {  	[tilespmem:s9], [sflag:$0x2] =	stream.indirect_vreg.gather [hbm4b:s2+s3], $0x80, v3, vm0, $0xb8;
	[tilespmem:$0x18200] =	vst v63  }
0xde: {  	_ =	swait.ge [sflag:s26], $0x8000  }
0xdf: {  	s9 =	sld [smem:$0x7F6]  }
0xe0: {  	[sflag:s26] =	ssyncset.done $0x0  }
0xe1: {  	[sflag:s26] =	ssyncadd.s32 $0xFFFF8000  }
0xe2: {  	[hbm4b:s9+s3] =	stream.linear.scatter [tilespmem:s8], [sflag:$0x4], $0x8000, $0x38;
	[tilespmem:$0x18200] =	vst v63  }
0xe3: {  	v3 =	vld [tilespmem:$0x100];
	_ =	sdelay $0x4  }
0xe4: {  	v48 =	vshll.u32 v3, $0x1  }
0xe5: {  	v3 =	vand.u32 $0x7, v3;
	v4 =	vand.u32 $0xFFFFFFF0, v48  }
0xe6: {  	v3 =	vor.u32 v3, v4  }
0xe7: {  	v4 =	vperm.xlane v3, v0;
	_ =	sdelay $0x1  }
0xe8: {  	v3 =	vperm.xlane v3, v2;
	v4 =	vadd.s32 v1, v4;
	_ =	sdelay $0x1  }
0xe9: {  	v3 =	vadd.s32 v1, v3;
	_ =	sdelay $0x2  }
0xea: {  	[tilespmem:s28], [sflag:$0x3] =	stream.indirect_vreg.gather [hbm4b:s2+s3], $0x80, v4, vm0, $0xb8;
	[tilespmem:$0x18200] =	vst v63  }
0xeb: {  	s9 =	rddreg [dreg:$0x18]  }
0xec: {  	[tilespmem:s9], [sflag:$0x3] =	stream.indirect_vreg.gather [hbm4b:s2+s3], $0x80, v3, vm0, $0xb8;
	[tilespmem:$0x18200] =	vst v63  }
0xed: {  	v3 =	vld [tilespmem:$0x110];
	_ =	sdelay $0x4  }
0xee: {  	v49 =	vshll.u32 v3, $0x1  }
0xef: {  	v3 =	vand.u32 $0x7, v3;
	v4 =	vand.u32 $0xFFFFFFF0, v49  }
0xf0: {  	v3 =	vor.u32 v3, v4  }
0xf1: {  	v4 =	vperm.xlane v3, v0;
	_ =	sdelay $0x1  }
0xf2: {  	v3 =	vperm.xlane v3, v2;
	v4 =	vadd.s32 v1, v4;
	_ =	sdelay $0x1  }
0xf3: {  	v3 =	vadd.s32 v1, v3;
	_ =	sdelay $0x1  }
0xf4: {  	s4 =	rddreg [dreg:$0x19]  }
0xf5: {  	[tilespmem:s4], [sflag:$0x3] =	stream.indirect_vreg.gather [hbm4b:s2+s3], $0x80, v4, vm0, $0xb8;
	[tilespmem:$0x18200] =	vst v63  }
0xf6: {  	s9 =	rddreg [dreg:$0x1a]  }
0xf7: {  	[tilespmem:s9], [sflag:$0x3] =	stream.indirect_vreg.gather [hbm4b:s2+s3], $0x80, v3, vm0, $0xb8;
	[tilespmem:$0x18200] =	vst v63  }
0xf8: {  	v3 =	vld [tilespmem:$0x120];
	_ =	sdelay $0x4  }
0xf9: {  	v50 =	vshll.u32 v3, $0x1  }
0xfa: {  	v3 =	vand.u32 $0x7, v3;
	v4 =	vand.u32 $0xFFFFFFF0, v50  }
0xfb: {  	v3 =	vor.u32 v3, v4  }
0xfc: {  	v4 =	vperm.xlane v3, v0;
	_ =	sdelay $0x1  }
0xfd: {  	v3 =	vperm.xlane v3, v2;
	v4 =	vadd.s32 v1, v4;
	_ =	sdelay $0x1  }
0xfe: {  	v3 =	vadd.s32 v1, v3;
	_ =	sdelay $0x1  }
0xff: {  	s4 =	rddreg [dreg:$0x1b]  }
0x100: {  	[tilespmem:s4], [sflag:$0x3] =	stream.indirect_vreg.gather [hbm4b:s2+s3], $0x80, v4, vm0, $0xb8;
	[tilespmem:$0x18200] =	vst v63  }
0x101: {  	s9 =	rddreg [dreg:$0x1c]  }
0x102: {  	[tilespmem:s9], [sflag:$0x3] =	stream.indirect_vreg.gather [hbm4b:s2+s3], $0x80, v3, vm0, $0xb8;
	[tilespmem:$0x18200] =	vst v63  }
0x103: {  	v3 =	vld [tilespmem:$0x130];
	_ =	sdelay $0x4  }
0x104: {  	v51 =	vshll.u32 v3, $0x1  }
0x105: {  	v3 =	vand.u32 $0x7, v3;
	v4 =	vand.u32 $0xFFFFFFF0, v51  }
0x106: {  	v3 =	vor.u32 v3, v4  }
0x107: {  	v4 =	vperm.xlane v3, v0;
	_ =	sdelay $0x1  }
0x108: {  	v3 =	vperm.xlane v3, v2;
	v4 =	vadd.s32 v1, v4;
	_ =	sdelay $0x1  }
0x109: {  	v3 =	vadd.s32 v1, v3;
	_ =	sdelay $0x1  }
0x10a: {  	s4 =	rddreg [dreg:$0x1d]  }
0x10b: {  	[tilespmem:s4], [sflag:$0x3] =	stream.indirect_vreg.gather [hbm4b:s2+s3], $0x80, v4, vm0, $0xb8;
	[tilespmem:$0x18200] =	vst v63  }
0x10c: {  	s9 =	rddreg [dreg:$0x1e]  }
0x10d: {  	[tilespmem:s9], [sflag:$0x3] =	stream.indirect_vreg.gather [hbm4b:s2+s3], $0x80, v3, vm0, $0xb8;
	[tilespmem:$0x18200] =	vst v63  }
0x10e: {  	v3 =	vld [tilespmem:$0x140];
	_ =	sdelay $0x4  }
0x10f: {  	v52 =	vshll.u32 v3, $0x1  }
0x110: {  	v3 =	vand.u32 $0x7, v3;
	v4 =	vand.u32 $0xFFFFFFF0, v52  }
0x111: {  	v3 =	vor.u32 v3, v4  }
0x112: {  	v4 =	vperm.xlane v3, v0;
	_ =	sdelay $0x1  }
0x113: {  	v3 =	vperm.xlane v3, v2;
	v4 =	vadd.s32 v1, v4;
	_ =	sdelay $0x1  }
0x114: {  	v3 =	vadd.s32 v1, v3  }
0x115: {  	s4 =	rddreg [dreg:$0x1f]  }
0x116: {  	s9 =	sld [smem:$0x7F7]  }
0x117: {  	[tilespmem:s4], [sflag:$0x3] =	stream.indirect_vreg.gather [hbm4b:s2+s3], $0x80, v4, vm0, $0xb8;
	[tilespmem:$0x18200] =	vst v63  }
0x118: {  	_ = 	snop  }
0x119: {  	[tilespmem:s9], [sflag:$0x3] =	stream.indirect_vreg.gather [hbm4b:s2+s3], $0x80, v3, vm0, $0xb8;
	[tilespmem:$0x18200] =	vst v63  }
0x11a: {  	v3 =	vld [tilespmem:$0x150];
	_ =	sdelay $0x4  }
0x11b: {  	v53 =	vshll.u32 v3, $0x1  }
0x11c: {  	v3 =	vand.u32 $0x7, v3;
	v4 =	vand.u32 $0xFFFFFFF0, v53  }
0x11d: {  	v3 =	vor.u32 v3, v4  }
0x11e: {  	v4 =	vperm.xlane v3, v0;
	_ =	sdelay $0x1  }
0x11f: {  	v3 =	vperm.xlane v3, v2;
	v4 =	vadd.s32 v1, v4;
	_ =	sdelay $0x1  }
0x120: {  	s4 =	sld [smem:$0x7F8];
	v3 =	vadd.s32 v1, v3;
	_ =	sdelay $0x1  }
0x121: {  	s9 =	sld [smem:$0x7F9]  }
0x122: {  	[tilespmem:s4], [sflag:$0x3] =	stream.indirect_vreg.gather [hbm4b:s2+s3], $0x80, v4, vm0, $0xb8;
	[tilespmem:$0x18200] =	vst v63  }
0x123: {  	_ = 	snop  }
0x124: {  	[tilespmem:s9], [sflag:$0x3] =	stream.indirect_vreg.gather [hbm4b:s2+s3], $0x80, v3, vm0, $0xb8;
	[tilespmem:$0x18200] =	vst v63  }
0x125: {  	v3 =	vld [tilespmem:$0x160];
	_ =	sdelay $0x4  }
0x126: {  	v54 =	vshll.u32 v3, $0x1  }
0x127: {  	v3 =	vand.u32 $0x7, v3;
	v4 =	vand.u32 $0xFFFFFFF0, v54  }
0x128: {  	v3 =	vor.u32 v3, v4  }
0x129: {  	v4 =	vperm.xlane v3, v0;
	_ =	sdelay $0x1  }
0x12a: {  	v3 =	vperm.xlane v3, v2;
	v4 =	vadd.s32 v1, v4;
	_ =	sdelay $0x1  }
0x12b: {  	s4 =	sld [smem:$0x7FA];
	v3 =	vadd.s32 v1, v3;
	_ =	sdelay $0x1  }
0x12c: {  	s9 =	sld [smem:$0x7FB]  }
0x12d: {  	[tilespmem:s4], [sflag:$0x3] =	stream.indirect_vreg.gather [hbm4b:s2+s3], $0x80, v4, vm0, $0xb8;
	[tilespmem:$0x18200] =	vst v63  }
0x12e: {  	_ = 	snop  }
0x12f: {  	[tilespmem:s9], [sflag:$0x3] =	stream.indirect_vreg.gather [hbm4b:s2+s3], $0x80, v3, vm0, $0xb8;
	[tilespmem:$0x18200] =	vst v63  }
0x130: {  	v3 =	vld [tilespmem:$0x170];
	_ =	sdelay $0x4  }
0x131: {  	v55 =	vshll.u32 v3, $0x1  }
0x132: {  	v3 =	vand.u32 $0x7, v3;
	v4 =	vand.u32 $0xFFFFFFF0, v55  }
0x133: {  	v3 =	vor.u32 v3, v4  }
0x134: {  	v4 =	vperm.xlane v3, v0;
	_ =	sdelay $0x1  }
0x135: {  	v3 =	vperm.xlane v3, v2;
	v4 =	vadd.s32 v1, v4;
	_ =	sdelay $0x1  }
0x136: {  	s4 =	sld [smem:$0x7FC];
	v3 =	vadd.s32 v1, v3;
	_ =	sdelay $0x1  }
0x137: {  	s9 =	sld [smem:$0x7FD]  }
0x138: {  	[tilespmem:s4], [sflag:$0x3] =	stream.indirect_vreg.gather [hbm4b:s2+s3], $0x80, v4, vm0, $0xb8;
	[tilespmem:$0x18200] =	vst v63  }
0x139: {  	_ = 	snop  }
0x13a: {  	[tilespmem:s9], [sflag:$0x3] =	stream.indirect_vreg.gather [hbm4b:s2+s3], $0x80, v3, vm0, $0xb8;
	[tilespmem:$0x18200] =	vst v63  }
0x13b: {  	_ =	swait.ge [sflag:s29], $0x8000  }
0x13c: {  	[sflag:s29] =	ssyncset.done $0x0  }
0x13d: {  	s9 =	rddreg [dreg:$0x5];
	[sflag:s29] =	ssyncadd.s32 $0xFFFF8000  }
0x13e: {  	[hbm4b:s9+s3] =	stream.linear.scatter [tilespmem:s25], [sflag:$0x5], $0x8000, $0x38;
	[tilespmem:$0x18200] =	vst v63  }
0x13f: {  	_ =	swait.ge [sflag:s30], $0x8000  }
0x140: {  	[sflag:s30] =	ssyncset.done $0x0  }
0x141: {  	[sflag:s30] =	ssyncadd.s32 $0xFFFF8000  }
0x142: {  	v3 =	vld [tilespmem:$0x180];
	_ =	sdelay $0x4  }
0x143: {  	v56 =	vshll.u32 v3, $0x1  }
0x144: {  	v3 =	vand.u32 $0x7, v3;
	v4 =	vand.u32 $0xFFFFFFF0, v56  }
0x145: {  	v3 =	vor.u32 v3, v4  }
0x146: {  	v4 =	vperm.xlane v3, v0;
	_ =	sdelay $0x1  }
0x147: {  	v3 =	vperm.xlane v3, v2;
	v4 =	vadd.s32 v1, v4;
	_ =	sdelay $0x1  }
0x148: {  	v3 =	vadd.s32 v1, v3;
	_ =	sdelay $0x2  }
0x149: {  	[tilespmem:s8], [sflag:$0x1] =	stream.indirect_vreg.gather [hbm4b:s2+s3], $0x80, v4, vm0, $0xb8;
	[tilespmem:$0x18200] =	vst v63  }
0x14a: {  	_ = 	snop  }
0x14b: {  	[tilespmem:s10], [sflag:$0x1] =	stream.indirect_vreg.gather [hbm4b:s2+s3], $0x80, v3, vm0, $0xb8;
	[tilespmem:$0x18200] =	vst v63  }
0x14c: {  	v3 =	vld [tilespmem:$0x190];
	_ =	sdelay $0x4  }
0x14d: {  	v57 =	vshll.u32 v3, $0x1  }
0x14e: {  	v3 =	vand.u32 $0x7, v3;
	v4 =	vand.u32 $0xFFFFFFF0, v57  }
0x14f: {  	v3 =	vor.u32 v3, v4  }
0x150: {  	v4 =	vperm.xlane v3, v0;
	_ =	sdelay $0x1  }
0x151: {  	v3 =	vperm.xlane v3, v2;
	v4 =	vadd.s32 v1, v4;
	_ =	sdelay $0x1  }
0x152: {  	v3 =	vadd.s32 v1, v3;
	_ =	sdelay $0x2  }
0x153: {  	[tilespmem:s11], [sflag:$0x1] =	stream.indirect_vreg.gather [hbm4b:s2+s3], $0x80, v4, vm0, $0xb8;
	[tilespmem:$0x18200] =	vst v63  }
0x154: {  	_ = 	snop  }
0x155: {  	[tilespmem:s12], [sflag:$0x1] =	stream.indirect_vreg.gather [hbm4b:s2+s3], $0x80, v3, vm0, $0xb8;
	[tilespmem:$0x18200] =	vst v63  }
0x156: {  	v3 =	vld [tilespmem:$0x1A0];
	_ =	sdelay $0x4  }
0x157: {  	v58 =	vshll.u32 v3, $0x1  }
0x158: {  	v3 =	vand.u32 $0x7, v3;
	v4 =	vand.u32 $0xFFFFFFF0, v58  }
0x159: {  	v3 =	vor.u32 v3, v4  }
0x15a: {  	v4 =	vperm.xlane v3, v0;
	_ =	sdelay $0x1  }
0x15b: {  	v3 =	vperm.xlane v3, v2;
	v4 =	vadd.s32 v1, v4;
	_ =	sdelay $0x1  }
0x15c: {  	v3 =	vadd.s32 v1, v3;
	_ =	sdelay $0x2  }
0x15d: {  	[tilespmem:s5], [sflag:$0x1] =	stream.indirect_vreg.gather [hbm4b:s2+s3], $0x80, v4, vm0, $0xb8;
	[tilespmem:$0x18200] =	vst v63  }
0x15e: {  	_ = 	snop  }
0x15f: {  	[tilespmem:s13], [sflag:$0x1] =	stream.indirect_vreg.gather [hbm4b:s2+s3], $0x80, v3, vm0, $0xb8;
	[tilespmem:$0x18200] =	vst v63  }
0x160: {  	v3 =	vld [tilespmem:$0x1B0];
	_ =	sdelay $0x4  }
0x161: {  	v59 =	vshll.u32 v3, $0x1  }
0x162: {  	v3 =	vand.u32 $0x7, v3;
	v4 =	vand.u32 $0xFFFFFFF0, v59  }
0x163: {  	v3 =	vor.u32 v3, v4  }
0x164: {  	v4 =	vperm.xlane v3, v0;
	_ =	sdelay $0x1  }
0x165: {  	v3 =	vperm.xlane v3, v2;
	v4 =	vadd.s32 v1, v4;
	_ =	sdelay $0x1  }
0x166: {  	v3 =	vadd.s32 v1, v3;
	_ =	sdelay $0x2  }
0x167: {  	[tilespmem:s14], [sflag:$0x1] =	stream.indirect_vreg.gather [hbm4b:s2+s3], $0x80, v4, vm0, $0xb8;
	[tilespmem:$0x18200] =	vst v63  }
0x168: {  	_ = 	snop  }
0x169: {  	[tilespmem:s15], [sflag:$0x1] =	stream.indirect_vreg.gather [hbm4b:s2+s3], $0x80, v3, vm0, $0xb8;
	[tilespmem:$0x18200] =	vst v63  }
0x16a: {  	v3 =	vld [tilespmem:$0x1C0];
	_ =	sdelay $0x4  }
0x16b: {  	v60 =	vshll.u32 v3, $0x1  }
0x16c: {  	v3 =	vand.u32 $0x7, v3;
	v4 =	vand.u32 $0xFFFFFFF0, v60  }
0x16d: {  	v3 =	vor.u32 v3, v4  }
0x16e: {  	v4 =	vperm.xlane v3, v0;
	_ =	sdelay $0x1  }
0x16f: {  	v3 =	vperm.xlane v3, v2;
	v4 =	vadd.s32 v1, v4;
	_ =	sdelay $0x1  }
0x170: {  	v3 =	vadd.s32 v1, v3;
	_ =	sdelay $0x2  }
0x171: {  	[tilespmem:s16], [sflag:$0x1] =	stream.indirect_vreg.gather [hbm4b:s2+s3], $0x80, v4, vm0, $0xb8;
	[tilespmem:$0x18200] =	vst v63  }
0x172: {  	_ = 	snop  }
0x173: {  	[tilespmem:s17], [sflag:$0x1] =	stream.indirect_vreg.gather [hbm4b:s2+s3], $0x80, v3, vm0, $0xb8;
	[tilespmem:$0x18200] =	vst v63  }
0x174: {  	v3 =	vld [tilespmem:$0x1D0];
	_ =	sdelay $0x4  }
0x175: {  	v61 =	vshll.u32 v3, $0x1  }
0x176: {  	v3 =	vand.u32 $0x7, v3;
	v4 =	vand.u32 $0xFFFFFFF0, v61  }
0x177: {  	v3 =	vor.u32 v3, v4  }
0x178: {  	v4 =	vperm.xlane v3, v0;
	_ =	sdelay $0x1  }
0x179: {  	v3 =	vperm.xlane v3, v2;
	v4 =	vadd.s32 v1, v4;
	_ =	sdelay $0x1  }
0x17a: {  	v3 =	vadd.s32 v1, v3;
	_ =	sdelay $0x2  }
0x17b: {  	[tilespmem:s18], [sflag:$0x1] =	stream.indirect_vreg.gather [hbm4b:s2+s3], $0x80, v4, vm0, $0xb8;
	[tilespmem:$0x18200] =	vst v63  }
0x17c: {  	_ = 	snop  }
0x17d: {  	[tilespmem:s19], [sflag:$0x1] =	stream.indirect_vreg.gather [hbm4b:s2+s3], $0x80, v3, vm0, $0xb8;
	[tilespmem:$0x18200] =	vst v63  }
0x17e: {  	v3 =	vld [tilespmem:$0x1E0];
	_ =	sdelay $0x4  }
0x17f: {  	v62 =	vshll.u32 v3, $0x1  }
0x180: {  	v3 =	vand.u32 $0x7, v3;
	v4 =	vand.u32 $0xFFFFFFF0, v62  }
0x181: {  	v3 =	vor.u32 v3, v4  }
0x182: {  	v4 =	vperm.xlane v3, v0;
	_ =	sdelay $0x1  }
0x183: {  	v3 =	vperm.xlane v3, v2;
	v4 =	vadd.s32 v1, v4;
	_ =	sdelay $0x1  }
0x184: {  	v3 =	vadd.s32 v1, v3;
	_ =	sdelay $0x2  }
0x185: {  	[tilespmem:s20], [sflag:$0x1] =	stream.indirect_vreg.gather [hbm4b:s2+s3], $0x80, v4, vm0, $0xb8;
	[tilespmem:$0x18200] =	vst v63  }
0x186: {  	_ = 	snop  }
0x187: {  	[tilespmem:s21], [sflag:$0x1] =	stream.indirect_vreg.gather [hbm4b:s2+s3], $0x80, v3, vm0, $0xb8;
	[tilespmem:$0x18200] =	vst v63  }
0x188: {  	v3 =	vld [tilespmem:$0x1F0];
	_ =	sdelay $0x4  }
0x189: {  	v63 =	vshll.u32 v3, $0x1  }
0x18a: {  	v3 =	vand.u32 $0x7, v3;
	v4 =	vand.u32 $0xFFFFFFF0, v63  }
0x18b: {  	v3 =	vor.u32 v3, v4  }
0x18c: {  	v4 =	vperm.xlane v3, v0;
	_ =	sdelay $0x1  }
0x18d: {  	v3 =	vperm.xlane v3, v2;
	v4 =	vadd.s32 v1, v4;
	_ =	sdelay $0x1  }
0x18e: {  	v3 =	vadd.s32 v1, v3;
	_ =	sdelay $0x2  }
0x18f: {  	[tilespmem:s22], [sflag:$0x1] =	stream.indirect_vreg.gather [hbm4b:s2+s3], $0x80, v4, vm0, $0xb8;
	[tilespmem:$0x18200] =	vst v63  }
0x190: {  	_ = 	snop  }
0x191: {  	[tilespmem:s23], [sflag:$0x1] =	stream.indirect_vreg.gather [hbm4b:s2+s3], $0x80, v3, vm0, $0xb8;
	[tilespmem:$0x18200] =	vst v63  }
0x192: {  	_ =	swait.ge [sflag:s31], $0x8000  }
0x193: {  	[sflag:s31] =	ssyncset.done $0x0  }
0x194: {  	s9 =	rddreg [dreg:$0x6];
	[sflag:s31] =	ssyncadd.s32 $0xFFFF8000  }
0x195: {  	[hbm4b:s9+s3] =	stream.linear.scatter [tilespmem:s28], [sflag:$0x6], $0x8000, $0x38;
	[tilespmem:$0x18200] =	vst v63  }
0x196: {  	_ =	swait.ge [sflag:s26], $0x8000  }
0x197: {  	[sflag:s26] =	ssyncset.done $0x0  }
0x198: {  	s10 =	rddreg [dreg:$0x7];
	[sflag:s26] =	ssyncadd.s32 $0xFFFF8000  }
0x199: {  	[hbm4b:s10+s3] =	stream.linear.scatter [tilespmem:s8], [sflag:$0x4], $0x8000, $0x38;
	[tilespmem:$0x18200] =	vst v63  }
0x19a: {  	_ =	swait.ge [sflag:s1], $0x8000  }
0x19b: {  	[sflag:s1] =	ssyncset.done $0x0  }
0x19c: {  	[sflag:s1] =	ssyncadd.s32 $0xFFFF8000  }
0x19d: {  	p0 =	sne.s32 s6, $0x1;
	_ =	swait.ge [sflag:s0], $0x8000  }
.Ltmp0:
0x19e: {  	[sflag:s0] =	ssyncset.done $0x0;
	(pc) =	sbr.rel @p0 .LBB2_1-.Ltmp0, $4  }
0x19f: {  	[sflag:s0] =	ssyncadd.s32 $0xFFFF8000  }
0x1a0: {  	_ =	swait.ge [sflag:s30], $0x8000  }
0x1a1: {  	[sflag:s30] =	ssyncset.done $0x0  }
0x1a2: {  	s6 =	sadd.s32 $0xFFFFFFFF, s6;
	[sflag:s30] =	ssyncadd.s32 $0xFFFF8000  }
0x1a3: {  	_ =	sfence.sel $0x180000  }
0x1a4: {  	[bflag:$0x0] =	sbarrier.arrive $0xFFFF  }
0x1a5: {  	_ =	strace $0x90000047  }
0x1a6: {  	s0 =	stileid.u32;
	[bflag:$0x2] =	sbarrier.arrive $0xFFFF  }
0x1a7: {  	p0 =	sne.s32 s0, $0x0;
	s0 =	rddreg [dreg:$0x3]  }
0x1a8: {  	s0 =	sadd.s32 @!p0 $0x100000, s0  }
0x1a9: {  	[sflag:s0] =	ssyncadd.tile.s32 @!p0 $0x1;
	_ =	shalt  }
.Lfunc_end2:
_tile_overlayer_lowered:
.L_overlay_start_2:
0x1aa: {  	(tag) =	ssettag $0x2  }
0x1ab: {  	s0 =	rddreg [dreg:$0x0];
	s2 =	stileid.u32  }
0x1ac: {  	s1 =	rddreg [dreg:$0x1];
	p0 =	sne.s32 s2, $0x0  }
0x1ad: {  	s3 =	rddreg [dreg:$0x2];
	[bflag:$0x3] =	sbarrier.arrive $0xFFFF;
	s2 =	simm.s32 @!p0 $0x1C09  }
0x1ae: {  	[timem:s3], [sflag:s2] =	dma.local @!p0 [hbm:s0], s1  }
0x1af: {  	s0 =	simm.s32 @!p0 $0x9  }
0x1b0: {  	_ =	swait.ge @!p0 [sflag:s0], s1  }
0x1b1: {  	s1 =	ssub.s32 @!p0 $0x0, s1;
	[sflag:s0] =	ssyncset.done @!p0 $0x0  }
0x1b2: {  	[sflag:s0] =	ssyncadd.s32 @!p0 s1  }
0x1b3: {  	[bflag:$0x3] =	sbarrier.arrive $0xFFFF  }
0x1b4: {  	_ =	shalt  }

</sc_bundles>
